<compile_context>
chip_gen: v7x
topology: tpu7x:2x2x1
jax: 0.10.2.dev20260603
libtpu: 0.0.44.dev20260713+nightly
codegen_flags: <defaults>
</compile_context>

<pallas_src>
import functools

import jax
import jax.numpy as jnp
from jax import lax
from jax.experimental import pallas as pl
from jax.experimental.pallas import tpu as pltpu
from jax.experimental.pallas import tpu_sc as plsc

N_NODES = 10000
NPAD = 10112
D_FEAT = 128
D_HID = 16
N_CLASSES = 7
N_EDGES = 320000
N_TILES = 32
BATCH = 128
NB = 80
EPT = NB * BATCH
ROWS_PER_SUB = NPAD // 16


def _mm_body(x_ref, w_ref, o_ref):
    o_ref[...] = jnp.dot(x_ref[...], w_ref[...],
                         preferred_element_type=jnp.float32)


def _final_body(q_ref, p_ref, y1_ref, w_ref, o_ref):
    z = p_ref[0] + p_ref[1] - y1_ref[...]
    agg = q_ref[0] + q_ref[1] - z
    full = jnp.dot(agg, w_ref[...], preferred_element_type=jnp.float32)
    v = full[:N_NODES, :N_CLASSES]
    m = jnp.max(v, axis=0, keepdims=True)
    lse = jnp.log(jnp.sum(jnp.exp(v - m), axis=0, keepdims=True)) + m
    o_ref[...] = v - lse


def _agg_loop(tab_sh, acc_sh, src_v, dst_v, buf0, buf1, sem0, sem1):
    pltpu.async_copy(tab_sh.at[src_v.at[0]], buf0, sem0)

    def body(j, carry):
        i0 = 2 * j
        pltpu.async_copy(tab_sh.at[src_v.at[i0 + 1]], buf1, sem1)
        pltpu.make_async_copy(tab_sh.at[src_v.at[i0]], buf0, sem0).wait()
        pltpu.sync_copy(buf0, acc_sh.at[dst_v.at[i0]], add=True)
        pltpu.async_copy(tab_sh.at[src_v.at[i0 + 2]], buf0, sem0)
        pltpu.make_async_copy(
            tab_sh.at[src_v.at[i0 + 1]], buf1, sem1).wait()
        pltpu.sync_copy(buf1, acc_sh.at[dst_v.at[i0 + 1]], add=True)
        return carry

    lax.fori_loop(0, NB // 2, body, 0)
    pltpu.make_async_copy(tab_sh.at[src_v.at[NB]], buf0, sem0).wait()


_SC_SCRATCH = [
    pltpu.VMEM((NB + 2, BATCH), jnp.int32),
    pltpu.VMEM((NB, BATCH), jnp.int32),
    pltpu.VMEM((BATCH, D_HID), jnp.float32),
    pltpu.VMEM((BATCH, D_HID), jnp.float32),
    pltpu.VMEM_SHARED((NPAD, D_HID), jnp.float32),
    pltpu.VMEM_SHARED((NPAD, D_HID), jnp.float32),
    pltpu.SemaphoreType.DMA,
    pltpu.SemaphoreType.DMA,
]

_SC_MESH = dict(core_axis_name="c", subcore_axis_name="s")


def _sc_aggregate(table, src_idx, dst_idx):

    @functools.partial(
        pl.kernel,
        mesh=plsc.VectorSubcoreMesh(**_SC_MESH),
        compiler_params=pltpu.CompilerParams(use_tc_tiling_on_sc=False),
        out_type=jax.ShapeDtypeStruct((2, NPAD, D_HID), jnp.float32),
        scratch_types=_SC_SCRATCH,
    )
    def agg(table_hbm, src_hbm, dst_hbm, out_hbm,
            src_v, dst_v, buf0, buf1, tab_sh, acc_sh, sem0, sem1):
        c = lax.axis_index("c")
        s = lax.axis_index("s")
        wid = c * 16 + s
        pltpu.sync_copy(src_hbm.at[wid], src_v)
        pltpu.sync_copy(dst_hbm.at[wid], dst_v)
        rsl = pl.ds(s * ROWS_PER_SUB, ROWS_PER_SUB)
        pltpu.sync_copy(table_hbm.at[rsl], tab_sh.at[rsl])
        pltpu.sync_copy(table_hbm.at[rsl], acc_sh.at[rsl])
        plsc.subcore_barrier()
        _agg_loop(tab_sh, acc_sh, src_v, dst_v, buf0, buf1, sem0, sem1)
        plsc.subcore_barrier()
        pltpu.sync_copy(acc_sh.at[rsl], out_hbm.at[c, rsl])

    return agg(table, src_idx, dst_idx)


def _sc_combine_aggregate(p, y1, src_idx, dst_idx):

    @functools.partial(
        pl.kernel,
        mesh=plsc.VectorSubcoreMesh(**_SC_MESH),
        compiler_params=pltpu.CompilerParams(use_tc_tiling_on_sc=False),
        out_type=jax.ShapeDtypeStruct((2, NPAD, D_HID), jnp.float32),
        scratch_types=_SC_SCRATCH + [
            pltpu.VMEM((ROWS_PER_SUB, D_HID), jnp.float32),
            pltpu.VMEM((ROWS_PER_SUB, D_HID), jnp.float32),
            pltpu.VMEM((ROWS_PER_SUB, D_HID), jnp.float32),
        ],
    )
    def agg(p_hbm, y1_hbm, src_hbm, dst_hbm, out_hbm,
            src_v, dst_v, buf0, buf1, tab_sh, acc_sh, sem0, sem1,
            z_v, p1_v, y1_v):
        c = lax.axis_index("c")
        s = lax.axis_index("s")
        wid = c * 16 + s
        pltpu.sync_copy(src_hbm.at[wid], src_v)
        pltpu.sync_copy(dst_hbm.at[wid], dst_v)
        rsl = pl.ds(s * ROWS_PER_SUB, ROWS_PER_SUB)
        pltpu.sync_copy(p_hbm.at[0, rsl], z_v)
        pltpu.sync_copy(p_hbm.at[1, rsl], p1_v)
        pltpu.sync_copy(y1_hbm.at[rsl], y1_v)

        def zbody(r, carry):
            z_v[r] = z_v[r] + p1_v[r] - y1_v[r]
            return carry

        lax.fori_loop(0, ROWS_PER_SUB, zbody, 0)
        pltpu.sync_copy(z_v, tab_sh.at[rsl])
        pltpu.sync_copy(z_v, acc_sh.at[rsl])
        plsc.subcore_barrier()
        _agg_loop(tab_sh, acc_sh, src_v, dst_v, buf0, buf1, sem0, sem1)
        plsc.subcore_barrier()
        pltpu.sync_copy(acc_sh.at[rsl], out_hbm.at[c, rsl])

    return agg(p, y1, src_idx, dst_idx)


def kernel(x, edge_index, W1, W2):
    src = edge_index[0].astype(jnp.int32)
    dst = edge_index[1].astype(jnp.int32)
    padlen = N_TILES * EPT - N_EDGES
    pad_dst = N_NODES + (jnp.arange(padlen, dtype=jnp.int32)
                         % (NPAD - N_NODES))
    src_p = jnp.concatenate(
        [src, jnp.zeros((padlen,), jnp.int32)]).reshape(N_TILES, NB, BATCH)
    src_p = jnp.concatenate(
        [src_p, jnp.zeros((N_TILES, 2, BATCH), jnp.int32)], axis=1)
    dst_p = jnp.concatenate([dst, pad_dst]).reshape(N_TILES, NB, BATCH)
    xp = jnp.pad(x, ((0, NPAD - N_NODES), (0, 0)))
    W2p = jnp.zeros((D_HID, D_HID), jnp.float32).at[:, :N_CLASSES].set(W2)

    y1 = pl.pallas_call(
        _mm_body,
        out_shape=jax.ShapeDtypeStruct((NPAD, D_HID), jnp.float32),
    )(xp, W1)
    p = _sc_aggregate(y1, src_p, dst_p)
    q = _sc_combine_aggregate(p, y1, src_p, dst_p)
    out = pl.pallas_call(
        _final_body,
        out_shape=jax.ShapeDtypeStruct((N_NODES, N_CLASSES), jnp.float32),
    )(q, p, y1, W2p)
    return out

# --- scband reference (transcript-rebuilt; emitter-appended) ---
"""Pipeline reference for scband-net-77309411970 (READ-ONLY COPY).

The authoritative reference and input builder live on the scoring server;
editing this copy changes nothing except your own understanding.
"""

import jax, jax.numpy as jnp
import numpy as np

N_NODES = 10000
N_EDGES = 320000
D_FEAT = 128
D_HID = 16
N_CLASSES = 7


def setup_inputs(seed: int = 0) -> dict:
    key = jax.random.key(seed)
    k1, k2, k3, k4 = jax.random.split(key, 4)
    x = jax.random.normal(k1, (N_NODES, D_FEAT), dtype=jnp.float32)
    edge_index = jax.random.randint(k2, (2, N_EDGES), 0, N_NODES, dtype=jnp.int64)
    W1 = jax.random.normal(k3, (D_FEAT, D_HID), dtype=jnp.float32) * 0.05
    W2 = jax.random.normal(k4, (D_HID, N_CLASSES), dtype=jnp.float32) * 0.05
    return {"x": x, "edge_index": edge_index, "W1": W1, "W2": W2}


def _sage_add_conv(x, src, dst, W, num_nodes):
    # SAGEConv with aggr='add', normalize=False, bias=False:
    # aggregate neighbor (and self-loop) features with scatter-add, then linear.
    agg = jax.ops.segment_sum(jnp.take(x, src, axis=0), dst, num_segments=num_nodes)
    return agg @ W


def reference(x, edge_index, W1, W2):
    N = x.shape[0]
    # add_self_loops(edge_index, num_nodes=N)
    loop = jnp.arange(N, dtype=edge_index.dtype)
    ei = jnp.concatenate([edge_index, jnp.stack([loop, loop], axis=0)], axis=1)
    src, dst = ei[0], ei[1]
    h = _sage_add_conv(x, src, dst, W1, N)
    out = _sage_add_conv(h, src, dst, W2, N)
    # original code applies log_softmax over dim=0 (node dimension)
    return jax.nn.log_softmax(out, axis=0)

if __name__ == "__main__":
    import jax
    _d = setup_inputs()
    print(jax.jit(kernel)(*tuple(_d.values())))

</pallas_src>

<mosaic_0001>
#map = affine_map<(d0, d1) -> (0, 0)>
#map1 = affine_map<(d0, d1) -> (0, 0, 0)>
module attributes {stable_mosaic.version = 14 : i64} {
  func.func @agg(%arg0: i32, %arg1: i32, %arg2: memref<10112x16xf32, #tpu.memory_space<hbm>>, %arg3: memref<32x82x128xi32, #tpu.memory_space<hbm>>, %arg4: memref<32x80x128xi32, #tpu.memory_space<hbm>>, %arg5: memref<2x10112x16xf32, #tpu.memory_space<hbm>>, %arg6: memref<82x128xi32, #tpu.memory_space<vmem>>, %arg7: memref<80x128xi32, #tpu.memory_space<vmem>>, %arg8: memref<128x16xf32, #tpu.memory_space<vmem>>, %arg9: memref<128x16xf32, #tpu.memory_space<vmem>>, %arg10: memref<10112x16xf32, #tpu.memory_space<vmem_shared>>, %arg11: memref<10112x16xf32, #tpu.memory_space<vmem_shared>>, %arg12: memref<!tpu.dma_semaphore, #tpu.memory_space<semaphore_mem>>, %arg13: memref<!tpu.dma_semaphore, #tpu.memory_space<semaphore_mem>>) attributes {dimension_semantics = [#tpu.dimension_semantics<core_parallel>, #tpu.dimension_semantics<subcore_parallel>], iteration_bounds = array<i64: 2, 16>, scalar_prefetch = 0 : i64, scratch_operands = 8 : i64, tpu.core_type = #tpu.core_type<sc_vector_subcore>, window_params = [{transform_indices = #map}, {transform_indices = #map1}, {transform_indices = #map1}, {transform_indices = #map1}]} {
    %mul3A = arith.constant 16 : i32
    %mul3A_0 = arith.muli %arg0, %mul3A : i32
    %add3A = arith.addi %mul3A_0, %arg1 : i32
    "tpu.region"() ({
      %run_scoped3A = tpu.sem_alloc : memref<!tpu.dma_semaphore, #tpu.memory_space<semaphore_mem>>
      %dma_start3A_21 = arith.constant 0 : i32
      %dma_start3A_22 = arith.constant 0 : i32
      %dma_start3A_23 = tpu.memref_slice %arg3[%add3A, %dma_start3A_21, %dma_start3A_22] : memref<32x82x128xi32, #tpu.memory_space<hbm>> -> memref<1x82x128xi32, #tpu.memory_space<hbm>>
      %dma_start3A_24 = tpu.memref_squeeze %dma_start3A_23 : memref<1x82x128xi32, #tpu.memory_space<hbm>> -> memref<82x128xi32, #tpu.memory_space<hbm>>
      %dma_start3A_25 = arith.constant 0 : i32
      %dma_start3A_26 = arith.constant 0 : i32
      %dma_start3A_27 = tpu.memref_slice %arg3[%add3A, %dma_start3A_25, %dma_start3A_26] : memref<32x82x128xi32, #tpu.memory_space<hbm>> -> memref<1x82x128xi32, #tpu.memory_space<hbm>>
      %dma_start3A_28 = tpu.memref_squeeze %dma_start3A_27 : memref<1x82x128xi32, #tpu.memory_space<hbm>> -> memref<82x128xi32, #tpu.memory_space<hbm>>
      tpu.enqueue_dma source(%dma_start3A_28 : memref<82x128xi32, #tpu.memory_space<hbm>>) target(%arg6 : memref<82x128xi32, #tpu.memory_space<vmem>>) target_semaphore(%run_scoped3A : memref<!tpu.dma_semaphore, #tpu.memory_space<semaphore_mem>>)
      %dma_wait3A_29 = arith.constant 0 : i32
      %dma_wait3A_30 = arith.constant 0 : i32
      %dma_wait3A_31 = tpu.memref_slice %arg3[%add3A, %dma_wait3A_29, %dma_wait3A_30] : memref<32x82x128xi32, #tpu.memory_space<hbm>> -> memref<1x82x128xi32, #tpu.memory_space<hbm>>
      %dma_wait3A_32 = tpu.memref_squeeze %dma_wait3A_31 : memref<1x82x128xi32, #tpu.memory_space<hbm>> -> memref<82x128xi32, #tpu.memory_space<hbm>>
      %dma_wait3A_33 = arith.constant 0 : i32
      %dma_wait3A_34 = arith.constant 0 : i32
      %dma_wait3A_35 = tpu.memref_slice %arg3[%add3A, %dma_wait3A_33, %dma_wait3A_34] : memref<32x82x128xi32, #tpu.memory_space<hbm>> -> memref<1x82x128xi32, #tpu.memory_space<hbm>>
      %dma_wait3A_36 = tpu.memref_squeeze %dma_wait3A_35 : memref<1x82x128xi32, #tpu.memory_space<hbm>> -> memref<82x128xi32, #tpu.memory_space<hbm>>
      tpu.wait_dma2 semaphore(%run_scoped3A : memref<!tpu.dma_semaphore, #tpu.memory_space<semaphore_mem>>) src(%dma_wait3A_36 : memref<82x128xi32, #tpu.memory_space<hbm>>) dst(%arg6 : memref<82x128xi32, #tpu.memory_space<vmem>>)
      tpu.yield
    }) : () -> ()
    "tpu.region"() ({
      %run_scoped3A = tpu.sem_alloc : memref<!tpu.dma_semaphore, #tpu.memory_space<semaphore_mem>>
      %dma_start3A_21 = arith.constant 0 : i32
      %dma_start3A_22 = arith.constant 0 : i32
      %dma_start3A_23 = tpu.memref_slice %arg4[%add3A, %dma_start3A_21, %dma_start3A_22] : memref<32x80x128xi32, #tpu.memory_space<hbm>> -> memref<1x80x128xi32, #tpu.memory_space<hbm>>
      %dma_start3A_24 = tpu.memref_squeeze %dma_start3A_23 : memref<1x80x128xi32, #tpu.memory_space<hbm>> -> memref<80x128xi32, #tpu.memory_space<hbm>>
      %dma_start3A_25 = arith.constant 0 : i32
      %dma_start3A_26 = arith.constant 0 : i32
      %dma_start3A_27 = tpu.memref_slice %arg4[%add3A, %dma_start3A_25, %dma_start3A_26] : memref<32x80x128xi32, #tpu.memory_space<hbm>> -> memref<1x80x128xi32, #tpu.memory_space<hbm>>
      %dma_start3A_28 = tpu.memref_squeeze %dma_start3A_27 : memref<1x80x128xi32, #tpu.memory_space<hbm>> -> memref<80x128xi32, #tpu.memory_space<hbm>>
      tpu.enqueue_dma source(%dma_start3A_28 : memref<80x128xi32, #tpu.memory_space<hbm>>) target(%arg7 : memref<80x128xi32, #tpu.memory_space<vmem>>) target_semaphore(%run_scoped3A : memref<!tpu.dma_semaphore, #tpu.memory_space<semaphore_mem>>)
      %dma_wait3A_29 = arith.constant 0 : i32
      %dma_wait3A_30 = arith.constant 0 : i32
      %dma_wait3A_31 = tpu.memref_slice %arg4[%add3A, %dma_wait3A_29, %dma_wait3A_30] : memref<32x80x128xi32, #tpu.memory_space<hbm>> -> memref<1x80x128xi32, #tpu.memory_space<hbm>>
      %dma_wait3A_32 = tpu.memref_squeeze %dma_wait3A_31 : memref<1x80x128xi32, #tpu.memory_space<hbm>> -> memref<80x128xi32, #tpu.memory_space<hbm>>
      %dma_wait3A_33 = arith.constant 0 : i32
      %dma_wait3A_34 = arith.constant 0 : i32
      %dma_wait3A_35 = tpu.memref_slice %arg4[%add3A, %dma_wait3A_33, %dma_wait3A_34] : memref<32x80x128xi32, #tpu.memory_space<hbm>> -> memref<1x80x128xi32, #tpu.memory_space<hbm>>
      %dma_wait3A_36 = tpu.memref_squeeze %dma_wait3A_35 : memref<1x80x128xi32, #tpu.memory_space<hbm>> -> memref<80x128xi32, #tpu.memory_space<hbm>>
      tpu.wait_dma2 semaphore(%run_scoped3A : memref<!tpu.dma_semaphore, #tpu.memory_space<semaphore_mem>>) src(%dma_wait3A_36 : memref<80x128xi32, #tpu.memory_space<hbm>>) dst(%arg7 : memref<80x128xi32, #tpu.memory_space<vmem>>)
      tpu.yield
    }) : () -> ()
    %mul3A_1 = arith.constant 632 : i32
    %mul3A_2 = arith.muli %arg1, %mul3A_1 : i32
    "tpu.region"() ({
      %run_scoped3A = tpu.sem_alloc : memref<!tpu.dma_semaphore, #tpu.memory_space<semaphore_mem>>
      %dma_start3A_21 = arith.constant 0 : i32
      %dma_start3A_22 = tpu.memref_slice %arg10[%mul3A_2, %dma_start3A_21] : memref<10112x16xf32, #tpu.memory_space<vmem_shared>> -> memref<632x16xf32, #tpu.memory_space<vmem_shared>>
      %dma_start3A_23 = arith.constant 0 : i32
      %dma_start3A_24 = tpu.memref_slice %arg2[%mul3A_2, %dma_start3A_23] : memref<10112x16xf32, #tpu.memory_space<hbm>> -> memref<632x16xf32, #tpu.memory_space<hbm>>
      tpu.enqueue_dma source(%dma_start3A_24 : memref<632x16xf32, #tpu.memory_space<hbm>>) target(%dma_start3A_22 : memref<632x16xf32, #tpu.memory_space<vmem_shared>>) target_semaphore(%run_scoped3A : memref<!tpu.dma_semaphore, #tpu.memory_space<semaphore_mem>>)
      %dma_wait3A_25 = arith.constant 0 : i32
      %dma_wait3A_26 = tpu.memref_slice %arg10[%mul3A_2, %dma_wait3A_25] : memref<10112x16xf32, #tpu.memory_space<vmem_shared>> -> memref<632x16xf32, #tpu.memory_space<vmem_shared>>
      %dma_wait3A_27 = arith.constant 0 : i32
      %dma_wait3A_28 = tpu.memref_slice %arg2[%mul3A_2, %dma_wait3A_27] : memref<10112x16xf32, #tpu.memory_space<hbm>> -> memref<632x16xf32, #tpu.memory_space<hbm>>
      tpu.wait_dma2 semaphore(%run_scoped3A : memref<!tpu.dma_semaphore, #tpu.memory_space<semaphore_mem>>) src(%dma_wait3A_28 : memref<632x16xf32, #tpu.memory_space<hbm>>) dst(%dma_wait3A_26 : memref<632x16xf32, #tpu.memory_space<vmem_shared>>)
      tpu.yield
    }) : () -> ()
    "tpu.region"() ({
      %run_scoped3A = tpu.sem_alloc : memref<!tpu.dma_semaphore, #tpu.memory_space<semaphore_mem>>
      %dma_start3A_21 = arith.constant 0 : i32
      %dma_start3A_22 = tpu.memref_slice %arg11[%mul3A_2, %dma_start3A_21] : memref<10112x16xf32, #tpu.memory_space<vmem_shared>> -> memref<632x16xf32, #tpu.memory_space<vmem_shared>>
      %dma_start3A_23 = arith.constant 0 : i32
      %dma_start3A_24 = tpu.memref_slice %arg2[%mul3A_2, %dma_start3A_23] : memref<10112x16xf32, #tpu.memory_space<hbm>> -> memref<632x16xf32, #tpu.memory_space<hbm>>
      tpu.enqueue_dma source(%dma_start3A_24 : memref<632x16xf32, #tpu.memory_space<hbm>>) target(%dma_start3A_22 : memref<632x16xf32, #tpu.memory_space<vmem_shared>>) target_semaphore(%run_scoped3A : memref<!tpu.dma_semaphore, #tpu.memory_space<semaphore_mem>>)
      %dma_wait3A_25 = arith.constant 0 : i32
      %dma_wait3A_26 = tpu.memref_slice %arg11[%mul3A_2, %dma_wait3A_25] : memref<10112x16xf32, #tpu.memory_space<vmem_shared>> -> memref<632x16xf32, #tpu.memory_space<vmem_shared>>
      %dma_wait3A_27 = arith.constant 0 : i32
      %dma_wait3A_28 = tpu.memref_slice %arg2[%mul3A_2, %dma_wait3A_27] : memref<10112x16xf32, #tpu.memory_space<hbm>> -> memref<632x16xf32, #tpu.memory_space<hbm>>
      tpu.wait_dma2 semaphore(%run_scoped3A : memref<!tpu.dma_semaphore, #tpu.memory_space<semaphore_mem>>) src(%dma_wait3A_28 : memref<632x16xf32, #tpu.memory_space<hbm>>) dst(%dma_wait3A_26 : memref<632x16xf32, #tpu.memory_space<vmem_shared>>)
      tpu.yield
    }) : () -> ()
    %barrier3A = arith.constant 0 : index
    tpu.barrier barrier_id(%barrier3A)
    %dma_start3A = arith.constant 0 : i32
    %dma_start3A_3 = arith.constant 0 : i32
    %dma_start3A_4 = tpu.memref_slice %arg6[%dma_start3A, %dma_start3A_3] : memref<82x128xi32, #tpu.memory_space<vmem>> -> memref<1x128xi32, #tpu.memory_space<vmem>>
    %dma_start3A_5 = tpu.memref_squeeze %dma_start3A_4 : memref<1x128xi32, #tpu.memory_space<vmem>> -> memref<128xi32, #tpu.memory_space<vmem>>
    %dma_start3A_6 = arith.constant 0 : i32
    %dma_start3A_7 = arith.constant 0 : i32
    %dma_start3A_8 = tpu.memref_slice %arg10[%dma_start3A_6, %dma_start3A_7] : memref<10112x16xf32, #tpu.memory_space<vmem_shared>> -> memref<10112x16xf32, #tpu.memory_space<vmem_shared>>
    tpu.enqueue_indirect_dma source(%dma_start3A_8 : memref<10112x16xf32, #tpu.memory_space<vmem_shared>>) target(%arg8 : memref<128x16xf32, #tpu.memory_space<vmem>>) offsets(%dma_start3A_5 : memref<128xi32, #tpu.memory_space<vmem>>) semaphore(%arg12 : memref<!tpu.dma_semaphore, #tpu.memory_space<semaphore_mem>>)
    %scan3A = arith.constant 0 : i32
    %scan3A_9 = arith.constant 0 : i32
    %scan3A_10 = arith.constant 40 : i32
    %scan3A_11 = arith.addi %scan3A_9, %scan3A_10 : i32
    %scan3A_12 = arith.constant 1 : i32
    scf.for %scan3A_21 = %scan3A_9 to %scan3A_11 step %scan3A_12  : i32 {
      %mul3A_22 = arith.constant 2 : i32
      %mul3A_23 = arith.muli %mul3A_22, %scan3A_21 : i32
      %add3A_24 = arith.constant 1 : i32
      %add3A_25 = arith.addi %mul3A_23, %add3A_24 : i32
      %dma_start3A_26 = arith.constant 0 : i32
      %dma_start3A_27 = tpu.memref_slice %arg6[%add3A_25, %dma_start3A_26] : memref<82x128xi32, #tpu.memory_space<vmem>> -> memref<1x128xi32, #tpu.memory_space<vmem>>
      %dma_start3A_28 = tpu.memref_squeeze %dma_start3A_27 : memref<1x128xi32, #tpu.memory_space<vmem>> -> memref<128xi32, #tpu.memory_space<vmem>>
      %dma_start3A_29 = arith.constant 0 : i32
      %dma_start3A_30 = arith.constant 0 : i32
      %dma_start3A_31 = tpu.memref_slice %arg10[%dma_start3A_29, %dma_start3A_30] : memref<10112x16xf32, #tpu.memory_space<vmem_shared>> -> memref<10112x16xf32, #tpu.memory_space<vmem_shared>>
      tpu.enqueue_indirect_dma source(%dma_start3A_31 : memref<10112x16xf32, #tpu.memory_space<vmem_shared>>) target(%arg9 : memref<128x16xf32, #tpu.memory_space<vmem>>) offsets(%dma_start3A_28 : memref<128xi32, #tpu.memory_space<vmem>>) semaphore(%arg13 : memref<!tpu.dma_semaphore, #tpu.memory_space<semaphore_mem>>)
      %dma_wait3A_32 = arith.constant 0 : i32
      %dma_wait3A_33 = tpu.memref_slice %arg6[%mul3A_23, %dma_wait3A_32] : memref<82x128xi32, #tpu.memory_space<vmem>> -> memref<1x128xi32, #tpu.memory_space<vmem>>
      %dma_wait3A_34 = tpu.memref_squeeze %dma_wait3A_33 : memref<1x128xi32, #tpu.memory_space<vmem>> -> memref<128xi32, #tpu.memory_space<vmem>>
      %dma_wait3A_35 = arith.constant 0 : i32
      %dma_wait3A_36 = arith.constant 0 : i32
      %dma_wait3A_37 = tpu.memref_slice %arg10[%dma_wait3A_35, %dma_wait3A_36] : memref<10112x16xf32, #tpu.memory_space<vmem_shared>> -> memref<10112x16xf32, #tpu.memory_space<vmem_shared>>
      tpu.wait_indirect_dma semaphore(%arg12 : memref<!tpu.dma_semaphore, #tpu.memory_space<semaphore_mem>>) src(%dma_wait3A_37 : memref<10112x16xf32, #tpu.memory_space<vmem_shared>>) dst(%arg8 : memref<128x16xf32, #tpu.memory_space<vmem>>)
      "tpu.region"() ({
        %run_scoped3A = tpu.sem_alloc : memref<!tpu.dma_semaphore, #tpu.memory_space<semaphore_mem>>
        %dma_start3A_56 = arith.constant 0 : i32
        %dma_start3A_57 = tpu.memref_slice %arg7[%mul3A_23, %dma_start3A_56] : memref<80x128xi32, #tpu.memory_space<vmem>> -> memref<1x128xi32, #tpu.memory_space<vmem>>
        %dma_start3A_58 = tpu.memref_squeeze %dma_start3A_57 : memref<1x128xi32, #tpu.memory_space<vmem>> -> memref<128xi32, #tpu.memory_space<vmem>>
        %dma_start3A_59 = arith.constant 0 : i32
        %dma_start3A_60 = arith.constant 0 : i32
        %dma_start3A_61 = tpu.memref_slice %arg11[%dma_start3A_59, %dma_start3A_60] : memref<10112x16xf32, #tpu.memory_space<vmem_shared>> -> memref<10112x16xf32, #tpu.memory_space<vmem_shared>>
        tpu.enqueue_indirect_dma source(%arg8 : memref<128x16xf32, #tpu.memory_space<vmem>>) target(%dma_start3A_61 : memref<10112x16xf32, #tpu.memory_space<vmem_shared>>) offsets(%dma_start3A_58 : memref<128xi32, #tpu.memory_space<vmem>>) semaphore(%run_scoped3A : memref<!tpu.dma_semaphore, #tpu.memory_space<semaphore_mem>>) {add = true}
        %dma_wait3A_62 = arith.constant 0 : i32
        %dma_wait3A_63 = tpu.memref_slice %arg7[%mul3A_23, %dma_wait3A_62] : memref<80x128xi32, #tpu.memory_space<vmem>> -> memref<1x128xi32, #tpu.memory_space<vmem>>
        %dma_wait3A_64 = tpu.memref_squeeze %dma_wait3A_63 : memref<1x128xi32, #tpu.memory_space<vmem>> -> memref<128xi32, #tpu.memory_space<vmem>>
        %dma_wait3A_65 = arith.constant 0 : i32
        %dma_wait3A_66 = arith.constant 0 : i32
        %dma_wait3A_67 = tpu.memref_slice %arg11[%dma_wait3A_65, %dma_wait3A_66] : memref<10112x16xf32, #tpu.memory_space<vmem_shared>> -> memref<10112x16xf32, #tpu.memory_space<vmem_shared>>
        tpu.wait_indirect_dma semaphore(%run_scoped3A : memref<!tpu.dma_semaphore, #tpu.memory_space<semaphore_mem>>) src(%arg8 : memref<128x16xf32, #tpu.memory_space<vmem>>) dst(%dma_wait3A_67 : memref<10112x16xf32, #tpu.memory_space<vmem_shared>>)
        tpu.yield
      }) : () -> ()
      %add3A_38 = arith.constant 2 : i32
      %add3A_39 = arith.addi %mul3A_23, %add3A_38 : i32
      %dma_start3A_40 = arith.constant 0 : i32
      %dma_start3A_41 = tpu.memref_slice %arg6[%add3A_39, %dma_start3A_40] : memref<82x128xi32, #tpu.memory_space<vmem>> -> memref<1x128xi32, #tpu.memory_space<vmem>>
      %dma_start3A_42 = tpu.memref_squeeze %dma_start3A_41 : memref<1x128xi32, #tpu.memory_space<vmem>> -> memref<128xi32, #tpu.memory_space<vmem>>
      %dma_start3A_43 = arith.constant 0 : i32
      %dma_start3A_44 = arith.constant 0 : i32
      %dma_start3A_45 = tpu.memref_slice %arg10[%dma_start3A_43, %dma_start3A_44] : memref<10112x16xf32, #tpu.memory_space<vmem_shared>> -> memref<10112x16xf32, #tpu.memory_space<vmem_shared>>
      tpu.enqueue_indirect_dma source(%dma_start3A_45 : memref<10112x16xf32, #tpu.memory_space<vmem_shared>>) target(%arg8 : memref<128x16xf32, #tpu.memory_space<vmem>>) offsets(%dma_start3A_42 : memref<128xi32, #tpu.memory_space<vmem>>) semaphore(%arg12 : memref<!tpu.dma_semaphore, #tpu.memory_space<semaphore_mem>>)
      %add3A_46 = arith.constant 1 : i32
      %add3A_47 = arith.addi %mul3A_23, %add3A_46 : i32
      %dma_wait3A_48 = arith.constant 0 : i32
      %dma_wait3A_49 = tpu.memref_slice %arg6[%add3A_47, %dma_wait3A_48] : memref<82x128xi32, #tpu.memory_space<vmem>> -> memref<1x128xi32, #tpu.memory_space<vmem>>
      %dma_wait3A_50 = tpu.memref_squeeze %dma_wait3A_49 : memref<1x128xi32, #tpu.memory_space<vmem>> -> memref<128xi32, #tpu.memory_space<vmem>>
      %dma_wait3A_51 = arith.constant 0 : i32
      %dma_wait3A_52 = arith.constant 0 : i32
      %dma_wait3A_53 = tpu.memref_slice %arg10[%dma_wait3A_51, %dma_wait3A_52] : memref<10112x16xf32, #tpu.memory_space<vmem_shared>> -> memref<10112x16xf32, #tpu.memory_space<vmem_shared>>
      tpu.wait_indirect_dma semaphore(%arg13 : memref<!tpu.dma_semaphore, #tpu.memory_space<semaphore_mem>>) src(%dma_wait3A_53 : memref<10112x16xf32, #tpu.memory_space<vmem_shared>>) dst(%arg9 : memref<128x16xf32, #tpu.memory_space<vmem>>)
      %add3A_54 = arith.constant 1 : i32
      %add3A_55 = arith.addi %mul3A_23, %add3A_54 : i32
      "tpu.region"() ({
        %run_scoped3A = tpu.sem_alloc : memref<!tpu.dma_semaphore, #tpu.memory_space<semaphore_mem>>
        %dma_start3A_56 = arith.constant 0 : i32
        %dma_start3A_57 = tpu.memref_slice %arg7[%add3A_55, %dma_start3A_56] : memref<80x128xi32, #tpu.memory_space<vmem>> -> memref<1x128xi32, #tpu.memory_space<vmem>>
        %dma_start3A_58 = tpu.memref_squeeze %dma_start3A_57 : memref<1x128xi32, #tpu.memory_space<vmem>> -> memref<128xi32, #tpu.memory_space<vmem>>
        %dma_start3A_59 = arith.constant 0 : i32
        %dma_start3A_60 = arith.constant 0 : i32
        %dma_start3A_61 = tpu.memref_slice %arg11[%dma_start3A_59, %dma_start3A_60] : memref<10112x16xf32, #tpu.memory_space<vmem_shared>> -> memref<10112x16xf32, #tpu.memory_space<vmem_shared>>
        tpu.enqueue_indirect_dma source(%arg9 : memref<128x16xf32, #tpu.memory_space<vmem>>) target(%dma_start3A_61 : memref<10112x16xf32, #tpu.memory_space<vmem_shared>>) offsets(%dma_start3A_58 : memref<128xi32, #tpu.memory_space<vmem>>) semaphore(%run_scoped3A : memref<!tpu.dma_semaphore, #tpu.memory_space<semaphore_mem>>) {add = true}
        %dma_wait3A_62 = arith.constant 0 : i32
        %dma_wait3A_63 = tpu.memref_slice %arg7[%add3A_55, %dma_wait3A_62] : memref<80x128xi32, #tpu.memory_space<vmem>> -> memref<1x128xi32, #tpu.memory_space<vmem>>
        %dma_wait3A_64 = tpu.memref_squeeze %dma_wait3A_63 : memref<1x128xi32, #tpu.memory_space<vmem>> -> memref<128xi32, #tpu.memory_space<vmem>>
        %dma_wait3A_65 = arith.constant 0 : i32
        %dma_wait3A_66 = arith.constant 0 : i32
        %dma_wait3A_67 = tpu.memref_slice %arg11[%dma_wait3A_65, %dma_wait3A_66] : memref<10112x16xf32, #tpu.memory_space<vmem_shared>> -> memref<10112x16xf32, #tpu.memory_space<vmem_shared>>
        tpu.wait_indirect_dma semaphore(%run_scoped3A : memref<!tpu.dma_semaphore, #tpu.memory_space<semaphore_mem>>) src(%arg9 : memref<128x16xf32, #tpu.memory_space<vmem>>) dst(%dma_wait3A_67 : memref<10112x16xf32, #tpu.memory_space<vmem_shared>>)
        tpu.yield
      }) : () -> ()
    }
    %scan3A_13 = arith.constant 40 : i32
    %dma_wait3A = arith.constant 80 : i32
    %dma_wait3A_14 = arith.constant 0 : i32
    %dma_wait3A_15 = tpu.memref_slice %arg6[%dma_wait3A, %dma_wait3A_14] : memref<82x128xi32, #tpu.memory_space<vmem>> -> memref<1x128xi32, #tpu.memory_space<vmem>>
    %dma_wait3A_16 = tpu.memref_squeeze %dma_wait3A_15 : memref<1x128xi32, #tpu.memory_space<vmem>> -> memref<128xi32, #tpu.memory_space<vmem>>
    %dma_wait3A_17 = arith.constant 0 : i32
    %dma_wait3A_18 = arith.constant 0 : i32
    %dma_wait3A_19 = tpu.memref_slice %arg10[%dma_wait3A_17, %dma_wait3A_18] : memref<10112x16xf32, #tpu.memory_space<vmem_shared>> -> memref<10112x16xf32, #tpu.memory_space<vmem_shared>>
    tpu.wait_indirect_dma semaphore(%arg12 : memref<!tpu.dma_semaphore, #tpu.memory_space<semaphore_mem>>) src(%dma_wait3A_19 : memref<10112x16xf32, #tpu.memory_space<vmem_shared>>) dst(%arg8 : memref<128x16xf32, #tpu.memory_space<vmem>>)
    %barrier3A_20 = arith.constant 0 : index
    tpu.barrier barrier_id(%barrier3A_20)
    "tpu.region"() ({
      %run_scoped3A = tpu.sem_alloc : memref<!tpu.dma_semaphore, #tpu.memory_space<semaphore_mem>>
      %dma_start3A_21 = arith.constant 0 : i32
      %dma_start3A_22 = tpu.memref_slice %arg5[%arg0, %mul3A_2, %dma_start3A_21] : memref<2x10112x16xf32, #tpu.memory_space<hbm>> -> memref<1x632x16xf32, #tpu.memory_space<hbm>>
      %dma_start3A_23 = tpu.memref_squeeze %dma_start3A_22 : memref<1x632x16xf32, #tpu.memory_space<hbm>> -> memref<632x16xf32, #tpu.memory_space<hbm>>
      %dma_start3A_24 = arith.constant 0 : i32
      %dma_start3A_25 = tpu.memref_slice %arg11[%mul3A_2, %dma_start3A_24] : memref<10112x16xf32, #tpu.memory_space<vmem_shared>> -> memref<632x16xf32, #tpu.memory_space<vmem_shared>>
      tpu.enqueue_dma source(%dma_start3A_25 : memref<632x16xf32, #tpu.memory_space<vmem_shared>>) target(%dma_start3A_23 : memref<632x16xf32, #tpu.memory_space<hbm>>) target_semaphore(%run_scoped3A : memref<!tpu.dma_semaphore, #tpu.memory_space<semaphore_mem>>)
      %dma_wait3A_26 = arith.constant 0 : i32
      %dma_wait3A_27 = tpu.memref_slice %arg5[%arg0, %mul3A_2, %dma_wait3A_26] : memref<2x10112x16xf32, #tpu.memory_space<hbm>> -> memref<1x632x16xf32, #tpu.memory_space<hbm>>
      %dma_wait3A_28 = tpu.memref_squeeze %dma_wait3A_27 : memref<1x632x16xf32, #tpu.memory_space<hbm>> -> memref<632x16xf32, #tpu.memory_space<hbm>>
      %dma_wait3A_29 = arith.constant 0 : i32
      %dma_wait3A_30 = tpu.memref_slice %arg11[%mul3A_2, %dma_wait3A_29] : memref<10112x16xf32, #tpu.memory_space<vmem_shared>> -> memref<632x16xf32, #tpu.memory_space<vmem_shared>>
      tpu.wait_dma2 semaphore(%run_scoped3A : memref<!tpu.dma_semaphore, #tpu.memory_space<semaphore_mem>>) src(%dma_wait3A_30 : memref<632x16xf32, #tpu.memory_space<vmem_shared>>) dst(%dma_wait3A_28 : memref<632x16xf32, #tpu.memory_space<hbm>>)
      tpu.yield
    }) : () -> ()
    return
  }
}

#map = affine_map<(d0, d1) -> (0, 0, 0)>
#map1 = affine_map<(d0, d1) -> (0, 0)>
module attributes {stable_mosaic.version = 14 : i64} {
  func.func @agg(%arg0: i32, %arg1: i32, %arg2: memref<2x10112x16xf32, #tpu.memory_space<hbm>>, %arg3: memref<10112x16xf32, #tpu.memory_space<hbm>>, %arg4: memref<32x82x128xi32, #tpu.memory_space<hbm>>, %arg5: memref<32x80x128xi32, #tpu.memory_space<hbm>>, %arg6: memref<2x10112x16xf32, #tpu.memory_space<hbm>>, %arg7: memref<82x128xi32, #tpu.memory_space<vmem>>, %arg8: memref<80x128xi32, #tpu.memory_space<vmem>>, %arg9: memref<128x16xf32, #tpu.memory_space<vmem>>, %arg10: memref<128x16xf32, #tpu.memory_space<vmem>>, %arg11: memref<10112x16xf32, #tpu.memory_space<vmem_shared>>, %arg12: memref<10112x16xf32, #tpu.memory_space<vmem_shared>>, %arg13: memref<!tpu.dma_semaphore, #tpu.memory_space<semaphore_mem>>, %arg14: memref<!tpu.dma_semaphore, #tpu.memory_space<semaphore_mem>>, %arg15: memref<632x16xf32, #tpu.memory_space<vmem>>, %arg16: memref<632x16xf32, #tpu.memory_space<vmem>>, %arg17: memref<632x16xf32, #tpu.memory_space<vmem>>) attributes {dimension_semantics = [#tpu.dimension_semantics<core_parallel>, #tpu.dimension_semantics<subcore_parallel>], iteration_bounds = array<i64: 2, 16>, scalar_prefetch = 0 : i64, scratch_operands = 11 : i64, tpu.core_type = #tpu.core_type<sc_vector_subcore>, window_params = [{transform_indices = #map}, {transform_indices = #map1}, {transform_indices = #map}, {transform_indices = #map}, {transform_indices = #map}]} {
    %mul3A = arith.constant 16 : i32
    %mul3A_0 = arith.muli %arg0, %mul3A : i32
    %add3A = arith.addi %mul3A_0, %arg1 : i32
    "tpu.region"() ({
      %run_scoped3A_28 = tpu.sem_alloc : memref<!tpu.dma_semaphore, #tpu.memory_space<semaphore_mem>>
      %dma_start3A_29 = arith.constant 0 : i32
      %dma_start3A_30 = arith.constant 0 : i32
      %dma_start3A_31 = tpu.memref_slice %arg4[%add3A, %dma_start3A_29, %dma_start3A_30] : memref<32x82x128xi32, #tpu.memory_space<hbm>> -> memref<1x82x128xi32, #tpu.memory_space<hbm>>
      %dma_start3A_32 = tpu.memref_squeeze %dma_start3A_31 : memref<1x82x128xi32, #tpu.memory_space<hbm>> -> memref<82x128xi32, #tpu.memory_space<hbm>>
      %dma_start3A_33 = arith.constant 0 : i32
      %dma_start3A_34 = arith.constant 0 : i32
      %dma_start3A_35 = tpu.memref_slice %arg4[%add3A, %dma_start3A_33, %dma_start3A_34] : memref<32x82x128xi32, #tpu.memory_space<hbm>> -> memref<1x82x128xi32, #tpu.memory_space<hbm>>
      %dma_start3A_36 = tpu.memref_squeeze %dma_start3A_35 : memref<1x82x128xi32, #tpu.memory_space<hbm>> -> memref<82x128xi32, #tpu.memory_space<hbm>>
      tpu.enqueue_dma source(%dma_start3A_36 : memref<82x128xi32, #tpu.memory_space<hbm>>) target(%arg7 : memref<82x128xi32, #tpu.memory_space<vmem>>) target_semaphore(%run_scoped3A_28 : memref<!tpu.dma_semaphore, #tpu.memory_space<semaphore_mem>>)
      %dma_wait3A_37 = arith.constant 0 : i32
      %dma_wait3A_38 = arith.constant 0 : i32
      %dma_wait3A_39 = tpu.memref_slice %arg4[%add3A, %dma_wait3A_37, %dma_wait3A_38] : memref<32x82x128xi32, #tpu.memory_space<hbm>> -> memref<1x82x128xi32, #tpu.memory_space<hbm>>
      %dma_wait3A_40 = tpu.memref_squeeze %dma_wait3A_39 : memref<1x82x128xi32, #tpu.memory_space<hbm>> -> memref<82x128xi32, #tpu.memory_space<hbm>>
      %dma_wait3A_41 = arith.constant 0 : i32
      %dma_wait3A_42 = arith.constant 0 : i32
      %dma_wait3A_43 = tpu.memref_slice %arg4[%add3A, %dma_wait3A_41, %dma_wait3A_42] : memref<32x82x128xi32, #tpu.memory_space<hbm>> -> memref<1x82x128xi32, #tpu.memory_space<hbm>>
      %dma_wait3A_44 = tpu.memref_squeeze %dma_wait3A_43 : memref<1x82x128xi32, #tpu.memory_space<hbm>> -> memref<82x128xi32, #tpu.memory_space<hbm>>
      tpu.wait_dma2 semaphore(%run_scoped3A_28 : memref<!tpu.dma_semaphore, #tpu.memory_space<semaphore_mem>>) src(%dma_wait3A_44 : memref<82x128xi32, #tpu.memory_space<hbm>>) dst(%arg7 : memref<82x128xi32, #tpu.memory_space<vmem>>)
      tpu.yield
    }) : () -> ()
    "tpu.region"() ({
      %run_scoped3A_28 = tpu.sem_alloc : memref<!tpu.dma_semaphore, #tpu.memory_space<semaphore_mem>>
      %dma_start3A_29 = arith.constant 0 : i32
      %dma_start3A_30 = arith.constant 0 : i32
      %dma_start3A_31 = tpu.memref_slice %arg5[%add3A, %dma_start3A_29, %dma_start3A_30] : memref<32x80x128xi32, #tpu.memory_space<hbm>> -> memref<1x80x128xi32, #tpu.memory_space<hbm>>
      %dma_start3A_32 = tpu.memref_squeeze %dma_start3A_31 : memref<1x80x128xi32, #tpu.memory_space<hbm>> -> memref<80x128xi32, #tpu.memory_space<hbm>>
      %dma_start3A_33 = arith.constant 0 : i32
      %dma_start3A_34 = arith.constant 0 : i32
      %dma_start3A_35 = tpu.memref_slice %arg5[%add3A, %dma_start3A_33, %dma_start3A_34] : memref<32x80x128xi32, #tpu.memory_space<hbm>> -> memref<1x80x128xi32, #tpu.memory_space<hbm>>
      %dma_start3A_36 = tpu.memref_squeeze %dma_start3A_35 : memref<1x80x128xi32, #tpu.memory_space<hbm>> -> memref<80x128xi32, #tpu.memory_space<hbm>>
      tpu.enqueue_dma source(%dma_start3A_36 : memref<80x128xi32, #tpu.memory_space<hbm>>) target(%arg8 : memref<80x128xi32, #tpu.memory_space<vmem>>) target_semaphore(%run_scoped3A_28 : memref<!tpu.dma_semaphore, #tpu.memory_space<semaphore_mem>>)
      %dma_wait3A_37 = arith.constant 0 : i32
      %dma_wait3A_38 = arith.constant 0 : i32
      %dma_wait3A_39 = tpu.memref_slice %arg5[%add3A, %dma_wait3A_37, %dma_wait3A_38] : memref<32x80x128xi32, #tpu.memory_space<hbm>> -> memref<1x80x128xi32, #tpu.memory_space<hbm>>
      %dma_wait3A_40 = tpu.memref_squeeze %dma_wait3A_39 : memref<1x80x128xi32, #tpu.memory_space<hbm>> -> memref<80x128xi32, #tpu.memory_space<hbm>>
      %dma_wait3A_41 = arith.constant 0 : i32
      %dma_wait3A_42 = arith.constant 0 : i32
      %dma_wait3A_43 = tpu.memref_slice %arg5[%add3A, %dma_wait3A_41, %dma_wait3A_42] : memref<32x80x128xi32, #tpu.memory_space<hbm>> -> memref<1x80x128xi32, #tpu.memory_space<hbm>>
      %dma_wait3A_44 = tpu.memref_squeeze %dma_wait3A_43 : memref<1x80x128xi32, #tpu.memory_space<hbm>> -> memref<80x128xi32, #tpu.memory_space<hbm>>
      tpu.wait_dma2 semaphore(%run_scoped3A_28 : memref<!tpu.dma_semaphore, #tpu.memory_space<semaphore_mem>>) src(%dma_wait3A_44 : memref<80x128xi32, #tpu.memory_space<hbm>>) dst(%arg8 : memref<80x128xi32, #tpu.memory_space<vmem>>)
      tpu.yield
    }) : () -> ()
    %mul3A_1 = arith.constant 632 : i32
    %mul3A_2 = arith.muli %arg1, %mul3A_1 : i32
    %run_scoped3A = arith.constant 0 : i32
    "tpu.region"() ({
      %run_scoped3A_28 = tpu.sem_alloc : memref<!tpu.dma_semaphore, #tpu.memory_space<semaphore_mem>>
      %dma_start3A_29 = arith.constant 0 : i32
      %dma_start3A_30 = tpu.memref_slice %arg2[%run_scoped3A, %mul3A_2, %dma_start3A_29] : memref<2x10112x16xf32, #tpu.memory_space<hbm>> -> memref<1x632x16xf32, #tpu.memory_space<hbm>>
      %dma_start3A_31 = tpu.memref_squeeze %dma_start3A_30 : memref<1x632x16xf32, #tpu.memory_space<hbm>> -> memref<632x16xf32, #tpu.memory_space<hbm>>
      %dma_start3A_32 = arith.constant 0 : i32
      %dma_start3A_33 = tpu.memref_slice %arg2[%run_scoped3A, %mul3A_2, %dma_start3A_32] : memref<2x10112x16xf32, #tpu.memory_space<hbm>> -> memref<1x632x16xf32, #tpu.memory_space<hbm>>
      %dma_start3A_34 = tpu.memref_squeeze %dma_start3A_33 : memref<1x632x16xf32, #tpu.memory_space<hbm>> -> memref<632x16xf32, #tpu.memory_space<hbm>>
      tpu.enqueue_dma source(%dma_start3A_34 : memref<632x16xf32, #tpu.memory_space<hbm>>) target(%arg15 : memref<632x16xf32, #tpu.memory_space<vmem>>) target_semaphore(%run_scoped3A_28 : memref<!tpu.dma_semaphore, #tpu.memory_space<semaphore_mem>>)
      %dma_wait3A_35 = arith.constant 0 : i32
      %dma_wait3A_36 = tpu.memref_slice %arg2[%run_scoped3A, %mul3A_2, %dma_wait3A_35] : memref<2x10112x16xf32, #tpu.memory_space<hbm>> -> memref<1x632x16xf32, #tpu.memory_space<hbm>>
      %dma_wait3A_37 = tpu.memref_squeeze %dma_wait3A_36 : memref<1x632x16xf32, #tpu.memory_space<hbm>> -> memref<632x16xf32, #tpu.memory_space<hbm>>
      %dma_wait3A_38 = arith.constant 0 : i32
      %dma_wait3A_39 = tpu.memref_slice %arg2[%run_scoped3A, %mul3A_2, %dma_wait3A_38] : memref<2x10112x16xf32, #tpu.memory_space<hbm>> -> memref<1x632x16xf32, #tpu.memory_space<hbm>>
      %dma_wait3A_40 = tpu.memref_squeeze %dma_wait3A_39 : memref<1x632x16xf32, #tpu.memory_space<hbm>> -> memref<632x16xf32, #tpu.memory_space<hbm>>
      tpu.wait_dma2 semaphore(%run_scoped3A_28 : memref<!tpu.dma_semaphore, #tpu.memory_space<semaphore_mem>>) src(%dma_wait3A_40 : memref<632x16xf32, #tpu.memory_space<hbm>>) dst(%arg15 : memref<632x16xf32, #tpu.memory_space<vmem>>)
      tpu.yield
    }) : () -> ()
    %run_scoped3A_3 = arith.constant 1 : i32
    "tpu.region"() ({
      %run_scoped3A_28 = tpu.sem_alloc : memref<!tpu.dma_semaphore, #tpu.memory_space<semaphore_mem>>
      %dma_start3A_29 = arith.constant 0 : i32
      %dma_start3A_30 = tpu.memref_slice %arg2[%run_scoped3A_3, %mul3A_2, %dma_start3A_29] : memref<2x10112x16xf32, #tpu.memory_space<hbm>> -> memref<1x632x16xf32, #tpu.memory_space<hbm>>
      %dma_start3A_31 = tpu.memref_squeeze %dma_start3A_30 : memref<1x632x16xf32, #tpu.memory_space<hbm>> -> memref<632x16xf32, #tpu.memory_space<hbm>>
      %dma_start3A_32 = arith.constant 0 : i32
      %dma_start3A_33 = tpu.memref_slice %arg2[%run_scoped3A_3, %mul3A_2, %dma_start3A_32] : memref<2x10112x16xf32, #tpu.memory_space<hbm>> -> memref<1x632x16xf32, #tpu.memory_space<hbm>>
      %dma_start3A_34 = tpu.memref_squeeze %dma_start3A_33 : memref<1x632x16xf32, #tpu.memory_space<hbm>> -> memref<632x16xf32, #tpu.memory_space<hbm>>
      tpu.enqueue_dma source(%dma_start3A_34 : memref<632x16xf32, #tpu.memory_space<hbm>>) target(%arg16 : memref<632x16xf32, #tpu.memory_space<vmem>>) target_semaphore(%run_scoped3A_28 : memref<!tpu.dma_semaphore, #tpu.memory_space<semaphore_mem>>)
      %dma_wait3A_35 = arith.constant 0 : i32
      %dma_wait3A_36 = tpu.memref_slice %arg2[%run_scoped3A_3, %mul3A_2, %dma_wait3A_35] : memref<2x10112x16xf32, #tpu.memory_space<hbm>> -> memref<1x632x16xf32, #tpu.memory_space<hbm>>
      %dma_wait3A_37 = tpu.memref_squeeze %dma_wait3A_36 : memref<1x632x16xf32, #tpu.memory_space<hbm>> -> memref<632x16xf32, #tpu.memory_space<hbm>>
      %dma_wait3A_38 = arith.constant 0 : i32
      %dma_wait3A_39 = tpu.memref_slice %arg2[%run_scoped3A_3, %mul3A_2, %dma_wait3A_38] : memref<2x10112x16xf32, #tpu.memory_space<hbm>> -> memref<1x632x16xf32, #tpu.memory_space<hbm>>
      %dma_wait3A_40 = tpu.memref_squeeze %dma_wait3A_39 : memref<1x632x16xf32, #tpu.memory_space<hbm>> -> memref<632x16xf32, #tpu.memory_space<hbm>>
      tpu.wait_dma2 semaphore(%run_scoped3A_28 : memref<!tpu.dma_semaphore, #tpu.memory_space<semaphore_mem>>) src(%dma_wait3A_40 : memref<632x16xf32, #tpu.memory_space<hbm>>) dst(%arg16 : memref<632x16xf32, #tpu.memory_space<vmem>>)
      tpu.yield
    }) : () -> ()
    "tpu.region"() ({
      %run_scoped3A_28 = tpu.sem_alloc : memref<!tpu.dma_semaphore, #tpu.memory_space<semaphore_mem>>
      %dma_start3A_29 = arith.constant 0 : i32
      %dma_start3A_30 = tpu.memref_slice %arg3[%mul3A_2, %dma_start3A_29] : memref<10112x16xf32, #tpu.memory_space<hbm>> -> memref<632x16xf32, #tpu.memory_space<hbm>>
      %dma_start3A_31 = arith.constant 0 : i32
      %dma_start3A_32 = tpu.memref_slice %arg3[%mul3A_2, %dma_start3A_31] : memref<10112x16xf32, #tpu.memory_space<hbm>> -> memref<632x16xf32, #tpu.memory_space<hbm>>
      tpu.enqueue_dma source(%dma_start3A_32 : memref<632x16xf32, #tpu.memory_space<hbm>>) target(%arg17 : memref<632x16xf32, #tpu.memory_space<vmem>>) target_semaphore(%run_scoped3A_28 : memref<!tpu.dma_semaphore, #tpu.memory_space<semaphore_mem>>)
      %dma_wait3A_33 = arith.constant 0 : i32
      %dma_wait3A_34 = tpu.memref_slice %arg3[%mul3A_2, %dma_wait3A_33] : memref<10112x16xf32, #tpu.memory_space<hbm>> -> memref<632x16xf32, #tpu.memory_space<hbm>>
      %dma_wait3A_35 = arith.constant 0 : i32
      %dma_wait3A_36 = tpu.memref_slice %arg3[%mul3A_2, %dma_wait3A_35] : memref<10112x16xf32, #tpu.memory_space<hbm>> -> memref<632x16xf32, #tpu.memory_space<hbm>>
      tpu.wait_dma2 semaphore(%run_scoped3A_28 : memref<!tpu.dma_semaphore, #tpu.memory_space<semaphore_mem>>) src(%dma_wait3A_36 : memref<632x16xf32, #tpu.memory_space<hbm>>) dst(%arg17 : memref<632x16xf32, #tpu.memory_space<vmem>>)
      tpu.yield
    }) : () -> ()
    %scan3A = arith.constant 0 : i32
    %scan3A_4 = arith.constant 0 : i32
    %scan3A_5 = arith.constant 632 : i32
    %scan3A_6 = arith.addi %scan3A_4, %scan3A_5 : i32
    %scan3A_7 = arith.constant 1 : i32
    scf.for %scan3A_28 = %scan3A_4 to %scan3A_6 step %scan3A_7  : i32 {
      %get3A = arith.index_cast %scan3A_28 : i32 to index
      %get3A_29 = arith.constant 0 : index
      %get3A_30 = tpu.vector_load %arg15[%get3A, %get3A_29] {strides = array<i32>} : memref<632x16xf32, #tpu.memory_space<vmem>>, vector<1x16xf32>,
      %get3A_31 = vector.shape_cast %get3A_30 : vector<1x16xf32> to vector<16xf32>
      %get3A_32 = arith.index_cast %scan3A_28 : i32 to index
      %get3A_33 = arith.constant 0 : index
      %get3A_34 = tpu.vector_load %arg16[%get3A_32, %get3A_33] {strides = array<i32>} : memref<632x16xf32, #tpu.memory_space<vmem>>, vector<1x16xf32>,
      %get3A_35 = vector.shape_cast %get3A_34 : vector<1x16xf32> to vector<16xf32>
      %add3A_36 = arith.addf %get3A_31, %get3A_35 : vector<16xf32>
      %get3A_37 = arith.index_cast %scan3A_28 : i32 to index
      %get3A_38 = arith.constant 0 : index
      %get3A_39 = tpu.vector_load %arg17[%get3A_37, %get3A_38] {strides = array<i32>} : memref<632x16xf32, #tpu.memory_space<vmem>>, vector<1x16xf32>,
      %get3A_40 = vector.shape_cast %get3A_39 : vector<1x16xf32> to vector<16xf32>
      %sub3A = arith.subf %add3A_36, %get3A_40 : vector<16xf32>
      %swap3A = arith.index_cast %scan3A_28 : i32 to index
      %swap3A_41 = arith.constant 0 : index
      %swap3A_42 = tpu.vector_load %arg15[%swap3A, %swap3A_41] {strides = array<i32>} : memref<632x16xf32, #tpu.memory_space<vmem>>, vector<1x16xf32>,
      %swap3A_43 = vector.shape_cast %swap3A_42 : vector<1x16xf32> to vector<16xf32>
      %swap3A_44 = vector.shape_cast %sub3A : vector<16xf32> to vector<1x16xf32>
      tpu.vector_store %arg15[%swap3A, %swap3A_41], %swap3A_44 {strides = array<i32>} : memref<632x16xf32, #tpu.memory_space<vmem>>, vector<1x16xf32>,
    }
    %scan3A_8 = arith.constant 632 : i32
    "tpu.region"() ({
      %run_scoped3A_28 = tpu.sem_alloc : memref<!tpu.dma_semaphore, #tpu.memory_space<semaphore_mem>>
      %dma_start3A_29 = arith.constant 0 : i32
      %dma_start3A_30 = tpu.memref_slice %arg11[%mul3A_2, %dma_start3A_29] : memref<10112x16xf32, #tpu.memory_space<vmem_shared>> -> memref<632x16xf32, #tpu.memory_space<vmem_shared>>
      %dma_start3A_31 = arith.constant 0 : i32
      %dma_start3A_32 = tpu.memref_slice %arg11[%mul3A_2, %dma_start3A_31] : memref<10112x16xf32, #tpu.memory_space<vmem_shared>> -> memref<632x16xf32, #tpu.memory_space<vmem_shared>>
      tpu.enqueue_dma source(%arg15 : memref<632x16xf32, #tpu.memory_space<vmem>>) target(%dma_start3A_32 : memref<632x16xf32, #tpu.memory_space<vmem_shared>>) target_semaphore(%run_scoped3A_28 : memref<!tpu.dma_semaphore, #tpu.memory_space<semaphore_mem>>)
      %dma_wait3A_33 = arith.constant 0 : i32
      %dma_wait3A_34 = tpu.memref_slice %arg11[%mul3A_2, %dma_wait3A_33] : memref<10112x16xf32, #tpu.memory_space<vmem_shared>> -> memref<632x16xf32, #tpu.memory_space<vmem_shared>>
      %dma_wait3A_35 = arith.constant 0 : i32
      %dma_wait3A_36 = tpu.memref_slice %arg11[%mul3A_2, %dma_wait3A_35] : memref<10112x16xf32, #tpu.memory_space<vmem_shared>> -> memref<632x16xf32, #tpu.memory_space<vmem_shared>>
      tpu.wait_dma2 semaphore(%run_scoped3A_28 : memref<!tpu.dma_semaphore, #tpu.memory_space<semaphore_mem>>) src(%arg15 : memref<632x16xf32, #tpu.memory_space<vmem>>) dst(%dma_wait3A_36 : memref<632x16xf32, #tpu.memory_space<vmem_shared>>)
      tpu.yield
    }) : () -> ()
    "tpu.region"() ({
      %run_scoped3A_28 = tpu.sem_alloc : memref<!tpu.dma_semaphore, #tpu.memory_space<semaphore_mem>>
      %dma_start3A_29 = arith.constant 0 : i32
      %dma_start3A_30 = tpu.memref_slice %arg12[%mul3A_2, %dma_start3A_29] : memref<10112x16xf32, #tpu.memory_space<vmem_shared>> -> memref<632x16xf32, #tpu.memory_space<vmem_shared>>
      %dma_start3A_31 = arith.constant 0 : i32
      %dma_start3A_32 = tpu.memref_slice %arg12[%mul3A_2, %dma_start3A_31] : memref<10112x16xf32, #tpu.memory_space<vmem_shared>> -> memref<632x16xf32, #tpu.memory_space<vmem_shared>>
      tpu.enqueue_dma source(%arg15 : memref<632x16xf32, #tpu.memory_space<vmem>>) target(%dma_start3A_32 : memref<632x16xf32, #tpu.memory_space<vmem_shared>>) target_semaphore(%run_scoped3A_28 : memref<!tpu.dma_semaphore, #tpu.memory_space<semaphore_mem>>)
      %dma_wait3A_33 = arith.constant 0 : i32
      %dma_wait3A_34 = tpu.memref_slice %arg12[%mul3A_2, %dma_wait3A_33] : memref<10112x16xf32, #tpu.memory_space<vmem_shared>> -> memref<632x16xf32, #tpu.memory_space<vmem_shared>>
      %dma_wait3A_35 = arith.constant 0 : i32
      %dma_wait3A_36 = tpu.memref_slice %arg12[%mul3A_2, %dma_wait3A_35] : memref<10112x16xf32, #tpu.memory_space<vmem_shared>> -> memref<632x16xf32, #tpu.memory_space<vmem_shared>>
      tpu.wait_dma2 semaphore(%run_scoped3A_28 : memref<!tpu.dma_semaphore, #tpu.memory_space<semaphore_mem>>) src(%arg15 : memref<632x16xf32, #tpu.memory_space<vmem>>) dst(%dma_wait3A_36 : memref<632x16xf32, #tpu.memory_space<vmem_shared>>)
      tpu.yield
    }) : () -> ()
    %barrier3A = arith.constant 0 : index
    tpu.barrier barrier_id(%barrier3A)
    %dma_start3A = arith.constant 0 : i32
    %dma_start3A_9 = arith.constant 0 : i32
    %dma_start3A_10 = tpu.memref_slice %arg7[%dma_start3A, %dma_start3A_9] : memref<82x128xi32, #tpu.memory_space<vmem>> -> memref<1x128xi32, #tpu.memory_space<vmem>>
    %dma_start3A_11 = tpu.memref_squeeze %dma_start3A_10 : memref<1x128xi32, #tpu.memory_space<vmem>> -> memref<128xi32, #tpu.memory_space<vmem>>
    %dma_start3A_12 = arith.constant 0 : i32
    %dma_start3A_13 = arith.constant 0 : i32
    %dma_start3A_14 = tpu.memref_slice %arg11[%dma_start3A_12, %dma_start3A_13] : memref<10112x16xf32, #tpu.memory_space<vmem_shared>> -> memref<10112x16xf32, #tpu.memory_space<vmem_shared>>
    tpu.enqueue_indirect_dma source(%dma_start3A_14 : memref<10112x16xf32, #tpu.memory_space<vmem_shared>>) target(%arg9 : memref<128x16xf32, #tpu.memory_space<vmem>>) offsets(%dma_start3A_11 : memref<128xi32, #tpu.memory_space<vmem>>) semaphore(%arg13 : memref<!tpu.dma_semaphore, #tpu.memory_space<semaphore_mem>>)
    %scan3A_15 = arith.constant 0 : i32
    %scan3A_16 = arith.constant 0 : i32
    %scan3A_17 = arith.constant 40 : i32
    %scan3A_18 = arith.addi %scan3A_16, %scan3A_17 : i32
    %scan3A_19 = arith.constant 1 : i32
    scf.for %scan3A_28 = %scan3A_16 to %scan3A_18 step %scan3A_19  : i32 {
      %mul3A_29 = arith.constant 2 : i32
      %mul3A_30 = arith.muli %mul3A_29, %scan3A_28 : i32
      %add3A_31 = arith.constant 1 : i32
      %add3A_32 = arith.addi %mul3A_30, %add3A_31 : i32
      %dma_start3A_33 = arith.constant 0 : i32
      %dma_start3A_34 = tpu.memref_slice %arg7[%add3A_32, %dma_start3A_33] : memref<82x128xi32, #tpu.memory_space<vmem>> -> memref<1x128xi32, #tpu.memory_space<vmem>>
      %dma_start3A_35 = tpu.memref_squeeze %dma_start3A_34 : memref<1x128xi32, #tpu.memory_space<vmem>> -> memref<128xi32, #tpu.memory_space<vmem>>
      %dma_start3A_36 = arith.constant 0 : i32
      %dma_start3A_37 = arith.constant 0 : i32
      %dma_start3A_38 = tpu.memref_slice %arg11[%dma_start3A_36, %dma_start3A_37] : memref<10112x16xf32, #tpu.memory_space<vmem_shared>> -> memref<10112x16xf32, #tpu.memory_space<vmem_shared>>
      tpu.enqueue_indirect_dma source(%dma_start3A_38 : memref<10112x16xf32, #tpu.memory_space<vmem_shared>>) target(%arg10 : memref<128x16xf32, #tpu.memory_space<vmem>>) offsets(%dma_start3A_35 : memref<128xi32, #tpu.memory_space<vmem>>) semaphore(%arg14 : memref<!tpu.dma_semaphore, #tpu.memory_space<semaphore_mem>>)
      %dma_wait3A_39 = arith.constant 0 : i32
      %dma_wait3A_40 = tpu.memref_slice %arg7[%mul3A_30, %dma_wait3A_39] : memref<82x128xi32, #tpu.memory_space<vmem>> -> memref<1x128xi32, #tpu.memory_space<vmem>>
      %dma_wait3A_41 = tpu.memref_squeeze %dma_wait3A_40 : memref<1x128xi32, #tpu.memory_space<vmem>> -> memref<128xi32, #tpu.memory_space<vmem>>
      %dma_wait3A_42 = arith.constant 0 : i32
      %dma_wait3A_43 = arith.constant 0 : i32
      %dma_wait3A_44 = tpu.memref_slice %arg11[%dma_wait3A_42, %dma_wait3A_43] : memref<10112x16xf32, #tpu.memory_space<vmem_shared>> -> memref<10112x16xf32, #tpu.memory_space<vmem_shared>>
      tpu.wait_indirect_dma semaphore(%arg13 : memref<!tpu.dma_semaphore, #tpu.memory_space<semaphore_mem>>) src(%dma_wait3A_44 : memref<10112x16xf32, #tpu.memory_space<vmem_shared>>) dst(%arg9 : memref<128x16xf32, #tpu.memory_space<vmem>>)
      "tpu.region"() ({
        %run_scoped3A_63 = tpu.sem_alloc : memref<!tpu.dma_semaphore, #tpu.memory_space<semaphore_mem>>
        %dma_start3A_64 = arith.constant 0 : i32
        %dma_start3A_65 = tpu.memref_slice %arg8[%mul3A_30, %dma_start3A_64] : memref<80x128xi32, #tpu.memory_space<vmem>> -> memref<1x128xi32, #tpu.memory_space<vmem>>
        %dma_start3A_66 = tpu.memref_squeeze %dma_start3A_65 : memref<1x128xi32, #tpu.memory_space<vmem>> -> memref<128xi32, #tpu.memory_space<vmem>>
        %dma_start3A_67 = arith.constant 0 : i32
        %dma_start3A_68 = arith.constant 0 : i32
        %dma_start3A_69 = tpu.memref_slice %arg12[%dma_start3A_67, %dma_start3A_68] : memref<10112x16xf32, #tpu.memory_space<vmem_shared>> -> memref<10112x16xf32, #tpu.memory_space<vmem_shared>>
        tpu.enqueue_indirect_dma source(%arg9 : memref<128x16xf32, #tpu.memory_space<vmem>>) target(%dma_start3A_69 : memref<10112x16xf32, #tpu.memory_space<vmem_shared>>) offsets(%dma_start3A_66 : memref<128xi32, #tpu.memory_space<vmem>>) semaphore(%run_scoped3A_63 : memref<!tpu.dma_semaphore, #tpu.memory_space<semaphore_mem>>) {add = true}
        %dma_wait3A_70 = arith.constant 0 : i32
        %dma_wait3A_71 = tpu.memref_slice %arg8[%mul3A_30, %dma_wait3A_70] : memref<80x128xi32, #tpu.memory_space<vmem>> -> memref<1x128xi32, #tpu.memory_space<vmem>>
        %dma_wait3A_72 = tpu.memref_squeeze %dma_wait3A_71 : memref<1x128xi32, #tpu.memory_space<vmem>> -> memref<128xi32, #tpu.memory_space<vmem>>
        %dma_wait3A_73 = arith.constant 0 : i32
        %dma_wait3A_74 = arith.constant 0 : i32
        %dma_wait3A_75 = tpu.memref_slice %arg12[%dma_wait3A_73, %dma_wait3A_74] : memref<10112x16xf32, #tpu.memory_space<vmem_shared>> -> memref<10112x16xf32, #tpu.memory_space<vmem_shared>>
        tpu.wait_indirect_dma semaphore(%run_scoped3A_63 : memref<!tpu.dma_semaphore, #tpu.memory_space<semaphore_mem>>) src(%arg9 : memref<128x16xf32, #tpu.memory_space<vmem>>) dst(%dma_wait3A_75 : memref<10112x16xf32, #tpu.memory_space<vmem_shared>>)
        tpu.yield
      }) : () -> ()
      %add3A_45 = arith.constant 2 : i32
      %add3A_46 = arith.addi %mul3A_30, %add3A_45 : i32
      %dma_start3A_47 = arith.constant 0 : i32
      %dma_start3A_48 = tpu.memref_slice %arg7[%add3A_46, %dma_start3A_47] : memref<82x128xi32, #tpu.memory_space<vmem>> -> memref<1x128xi32, #tpu.memory_space<vmem>>
      %dma_start3A_49 = tpu.memref_squeeze %dma_start3A_48 : memref<1x128xi32, #tpu.memory_space<vmem>> -> memref<128xi32, #tpu.memory_space<vmem>>
      %dma_start3A_50 = arith.constant 0 : i32
      %dma_start3A_51 = arith.constant 0 : i32
      %dma_start3A_52 = tpu.memref_slice %arg11[%dma_start3A_50, %dma_start3A_51] : memref<10112x16xf32, #tpu.memory_space<vmem_shared>> -> memref<10112x16xf32, #tpu.memory_space<vmem_shared>>
      tpu.enqueue_indirect_dma source(%dma_start3A_52 : memref<10112x16xf32, #tpu.memory_space<vmem_shared>>) target(%arg9 : memref<128x16xf32, #tpu.memory_space<vmem>>) offsets(%dma_start3A_49 : memref<128xi32, #tpu.memory_space<vmem>>) semaphore(%arg13 : memref<!tpu.dma_semaphore, #tpu.memory_space<semaphore_mem>>)
      %add3A_53 = arith.constant 1 : i32
      %add3A_54 = arith.addi %mul3A_30, %add3A_53 : i32
      %dma_wait3A_55 = arith.constant 0 : i32
      %dma_wait3A_56 = tpu.memref_slice %arg7[%add3A_54, %dma_wait3A_55] : memref<82x128xi32, #tpu.memory_space<vmem>> -> memref<1x128xi32, #tpu.memory_space<vmem>>
      %dma_wait3A_57 = tpu.memref_squeeze %dma_wait3A_56 : memref<1x128xi32, #tpu.memory_space<vmem>> -> memref<128xi32, #tpu.memory_space<vmem>>
      %dma_wait3A_58 = arith.constant 0 : i32
      %dma_wait3A_59 = arith.constant 0 : i32
      %dma_wait3A_60 = tpu.memref_slice %arg11[%dma_wait3A_58, %dma_wait3A_59] : memref<10112x16xf32, #tpu.memory_space<vmem_shared>> -> memref<10112x16xf32, #tpu.memory_space<vmem_shared>>
      tpu.wait_indirect_dma semaphore(%arg14 : memref<!tpu.dma_semaphore, #tpu.memory_space<semaphore_mem>>) src(%dma_wait3A_60 : memref<10112x16xf32, #tpu.memory_space<vmem_shared>>) dst(%arg10 : memref<128x16xf32, #tpu.memory_space<vmem>>)
      %add3A_61 = arith.constant 1 : i32
      %add3A_62 = arith.addi %mul3A_30, %add3A_61 : i32
      "tpu.region"() ({
        %run_scoped3A_63 = tpu.sem_alloc : memref<!tpu.dma_semaphore, #tpu.memory_space<semaphore_mem>>
        %dma_start3A_64 = arith.constant 0 : i32
        %dma_start3A_65 = tpu.memref_slice %arg8[%add3A_62, %dma_start3A_64] : memref<80x128xi32, #tpu.memory_space<vmem>> -> memref<1x128xi32, #tpu.memory_space<vmem>>
        %dma_start3A_66 = tpu.memref_squeeze %dma_start3A_65 : memref<1x128xi32, #tpu.memory_space<vmem>> -> memref<128xi32, #tpu.memory_space<vmem>>
        %dma_start3A_67 = arith.constant 0 : i32
        %dma_start3A_68 = arith.constant 0 : i32
        %dma_start3A_69 = tpu.memref_slice %arg12[%dma_start3A_67, %dma_start3A_68] : memref<10112x16xf32, #tpu.memory_space<vmem_shared>> -> memref<10112x16xf32, #tpu.memory_space<vmem_shared>>
        tpu.enqueue_indirect_dma source(%arg10 : memref<128x16xf32, #tpu.memory_space<vmem>>) target(%dma_start3A_69 : memref<10112x16xf32, #tpu.memory_space<vmem_shared>>) offsets(%dma_start3A_66 : memref<128xi32, #tpu.memory_space<vmem>>) semaphore(%run_scoped3A_63 : memref<!tpu.dma_semaphore, #tpu.memory_space<semaphore_mem>>) {add = true}
        %dma_wait3A_70 = arith.constant 0 : i32
        %dma_wait3A_71 = tpu.memref_slice %arg8[%add3A_62, %dma_wait3A_70] : memref<80x128xi32, #tpu.memory_space<vmem>> -> memref<1x128xi32, #tpu.memory_space<vmem>>
        %dma_wait3A_72 = tpu.memref_squeeze %dma_wait3A_71 : memref<1x128xi32, #tpu.memory_space<vmem>> -> memref<128xi32, #tpu.memory_space<vmem>>
        %dma_wait3A_73 = arith.constant 0 : i32
        %dma_wait3A_74 = arith.constant 0 : i32
        %dma_wait3A_75 = tpu.memref_slice %arg12[%dma_wait3A_73, %dma_wait3A_74] : memref<10112x16xf32, #tpu.memory_space<vmem_shared>> -> memref<10112x16xf32, #tpu.memory_space<vmem_shared>>
        tpu.wait_indirect_dma semaphore(%run_scoped3A_63 : memref<!tpu.dma_semaphore, #tpu.memory_space<semaphore_mem>>) src(%arg10 : memref<128x16xf32, #tpu.memory_space<vmem>>) dst(%dma_wait3A_75 : memref<10112x16xf32, #tpu.memory_space<vmem_shared>>)
        tpu.yield
      }) : () -> ()
    }
    %scan3A_20 = arith.constant 40 : i32
    %dma_wait3A = arith.constant 80 : i32
    %dma_wait3A_21 = arith.constant 0 : i32
    %dma_wait3A_22 = tpu.memref_slice %arg7[%dma_wait3A, %dma_wait3A_21] : memref<82x128xi32, #tpu.memory_space<vmem>> -> memref<1x128xi32, #tpu.memory_space<vmem>>
    %dma_wait3A_23 = tpu.memref_squeeze %dma_wait3A_22 : memref<1x128xi32, #tpu.memory_space<vmem>> -> memref<128xi32, #tpu.memory_space<vmem>>
    %dma_wait3A_24 = arith.constant 0 : i32
    %dma_wait3A_25 = arith.constant 0 : i32
    %dma_wait3A_26 = tpu.memref_slice %arg11[%dma_wait3A_24, %dma_wait3A_25] : memref<10112x16xf32, #tpu.memory_space<vmem_shared>> -> memref<10112x16xf32, #tpu.memory_space<vmem_shared>>
    tpu.wait_indirect_dma semaphore(%arg13 : memref<!tpu.dma_semaphore, #tpu.memory_space<semaphore_mem>>) src(%dma_wait3A_26 : memref<10112x16xf32, #tpu.memory_space<vmem_shared>>) dst(%arg9 : memref<128x16xf32, #tpu.memory_space<vmem>>)
    %barrier3A_27 = arith.constant 0 : index
    tpu.barrier barrier_id(%barrier3A_27)
    "tpu.region"() ({
      %run_scoped3A_28 = tpu.sem_alloc : memref<!tpu.dma_semaphore, #tpu.memory_space<semaphore_mem>>
      %dma_start3A_29 = arith.constant 0 : i32
      %dma_start3A_30 = tpu.memref_slice %arg6[%arg0, %mul3A_2, %dma_start3A_29] : memref<2x10112x16xf32, #tpu.memory_space<hbm>> -> memref<1x632x16xf32, #tpu.memory_space<hbm>>
      %dma_start3A_31 = tpu.memref_squeeze %dma_start3A_30 : memref<1x632x16xf32, #tpu.memory_space<hbm>> -> memref<632x16xf32, #tpu.memory_space<hbm>>
      %dma_start3A_32 = arith.constant 0 : i32
      %dma_start3A_33 = tpu.memref_slice %arg12[%mul3A_2, %dma_start3A_32] : memref<10112x16xf32, #tpu.memory_space<vmem_shared>> -> memref<632x16xf32, #tpu.memory_space<vmem_shared>>
      tpu.enqueue_dma source(%dma_start3A_33 : memref<632x16xf32, #tpu.memory_space<vmem_shared>>) target(%dma_start3A_31 : memref<632x16xf32, #tpu.memory_space<hbm>>) target_semaphore(%run_scoped3A_28 : memref<!tpu.dma_semaphore, #tpu.memory_space<semaphore_mem>>)
      %dma_wait3A_34 = arith.constant 0 : i32
      %dma_wait3A_35 = tpu.memref_slice %arg6[%arg0, %mul3A_2, %dma_wait3A_34] : memref<2x10112x16xf32, #tpu.memory_space<hbm>> -> memref<1x632x16xf32, #tpu.memory_space<hbm>>
      %dma_wait3A_36 = tpu.memref_squeeze %dma_wait3A_35 : memref<1x632x16xf32, #tpu.memory_space<hbm>> -> memref<632x16xf32, #tpu.memory_space<hbm>>
      %dma_wait3A_37 = arith.constant 0 : i32
      %dma_wait3A_38 = tpu.memref_slice %arg12[%mul3A_2, %dma_wait3A_37] : memref<10112x16xf32, #tpu.memory_space<vmem_shared>> -> memref<632x16xf32, #tpu.memory_space<vmem_shared>>
      tpu.wait_dma2 semaphore(%run_scoped3A_28 : memref<!tpu.dma_semaphore, #tpu.memory_space<semaphore_mem>>) src(%dma_wait3A_38 : memref<632x16xf32, #tpu.memory_space<vmem_shared>>) dst(%dma_wait3A_36 : memref<632x16xf32, #tpu.memory_space<hbm>>)
      tpu.yield
    }) : () -> ()
    return
  }
}

module attributes {stable_mosaic.version = 14 : i64} {
  func.func @_mm_body(%arg0: memref<10112x128xf32, #tpu.memory_space<vmem>>, %arg1: memref<128x16xf32, #tpu.memory_space<vmem>>, %arg2: memref<10112x16xf32, #tpu.memory_space<vmem>>) attributes {dimension_semantics = [], scalar_prefetch = 0 : i64, scratch_operands = 0 : i64, tpu.core_type = #tpu.core_type<tc>} {
    %get3A = arith.constant 0 : index
    %get3A_0 = arith.constant 0 : index
    %get3A_1 = vector.load %arg0[%get3A, %get3A_0] : memref<10112x128xf32, #tpu.memory_space<vmem>>, vector<10112x128xf32>
    %get3A_2 = arith.constant 0 : index
    %get3A_3 = arith.constant 0 : index
    %get3A_4 = vector.load %arg1[%get3A_2, %get3A_3] : memref<128x16xf32, #tpu.memory_space<vmem>>, vector<128x16xf32>
    %dot_general3A = arith.constant dense<0.000000e+00> : vector<10112x16xf32>
    %dot_general3A_5 = tpu.matmul %get3A_1, %get3A_4, %dot_general3A {dimension_numbers = #tpu.dot_dimension_numbers<[1], [0], [0], [1], [0, 0, 1, 1], [], []>, transpose_lhs_hint = false} : vector<10112x128xf32>, vector<128x16xf32>, vector<10112x16xf32> -> vector<10112x16xf32>
    %swap3A = arith.constant 0 : index
    %swap3A_6 = arith.constant 0 : index
    %swap3A_7 = vector.load %arg2[%swap3A, %swap3A_6] : memref<10112x16xf32, #tpu.memory_space<vmem>>, vector<10112x16xf32>
    tpu.vector_store %arg2[%swap3A, %swap3A_6], %dot_general3A_5 {strides = array<i32>} : memref<10112x16xf32, #tpu.memory_space<vmem>>, vector<10112x16xf32>,
    return
  }
}

module attributes {stable_mosaic.version = 14 : i64} {
  func.func @_final_body(%arg0: memref<2x10112x16xf32, #tpu.memory_space<vmem>>, %arg1: memref<2x10112x16xf32, #tpu.memory_space<vmem>>, %arg2: memref<10112x16xf32, #tpu.memory_space<vmem>>, %arg3: memref<16x16xf32, #tpu.memory_space<vmem>>, %arg4: memref<10000x7xf32, #tpu.memory_space<vmem>>) attributes {dimension_semantics = [], scalar_prefetch = 0 : i64, scratch_operands = 0 : i64, tpu.core_type = #tpu.core_type<tc>} {
    %get3A = arith.constant 0 : index
    %get3A_0 = arith.constant 0 : index
    %get3A_1 = arith.constant 0 : index
    %get3A_2 = vector.load %arg1[%get3A, %get3A_0, %get3A_1] : memref<2x10112x16xf32, #tpu.memory_space<vmem>>, vector<1x10112x16xf32>
    %get3A_3 = vector.shape_cast %get3A_2 : vector<1x10112x16xf32> to vector<10112x16xf32>
    %get3A_4 = arith.constant 1 : index
    %get3A_5 = arith.constant 0 : index
    %get3A_6 = arith.constant 0 : index
    %get3A_7 = vector.load %arg1[%get3A_4, %get3A_5, %get3A_6] : memref<2x10112x16xf32, #tpu.memory_space<vmem>>, vector<1x10112x16xf32>
    %get3A_8 = vector.shape_cast %get3A_7 : vector<1x10112x16xf32> to vector<10112x16xf32>
    %add3A = arith.addf %get3A_3, %get3A_8 : vector<10112x16xf32>
    %get3A_9 = arith.constant 0 : index
    %get3A_10 = arith.constant 0 : index
    %get3A_11 = vector.load %arg2[%get3A_9, %get3A_10] : memref<10112x16xf32, #tpu.memory_space<vmem>>, vector<10112x16xf32>
    %sub3A = arith.subf %add3A, %get3A_11 : vector<10112x16xf32>
    %get3A_12 = arith.constant 0 : index
    %get3A_13 = arith.constant 0 : index
    %get3A_14 = arith.constant 0 : index
    %get3A_15 = vector.load %arg0[%get3A_12, %get3A_13, %get3A_14] : memref<2x10112x16xf32, #tpu.memory_space<vmem>>, vector<1x10112x16xf32>
    %get3A_16 = vector.shape_cast %get3A_15 : vector<1x10112x16xf32> to vector<10112x16xf32>
    %get3A_17 = arith.constant 1 : index
    %get3A_18 = arith.constant 0 : index
    %get3A_19 = arith.constant 0 : index
    %get3A_20 = vector.load %arg0[%get3A_17, %get3A_18, %get3A_19] : memref<2x10112x16xf32, #tpu.memory_space<vmem>>, vector<1x10112x16xf32>
    %get3A_21 = vector.shape_cast %get3A_20 : vector<1x10112x16xf32> to vector<10112x16xf32>
    %add3A_22 = arith.addf %get3A_16, %get3A_21 : vector<10112x16xf32>
    %sub3A_23 = arith.subf %add3A_22, %sub3A : vector<10112x16xf32>
    %get3A_24 = arith.constant 0 : index
    %get3A_25 = arith.constant 0 : index
    %get3A_26 = vector.load %arg3[%get3A_24, %get3A_25] : memref<16x16xf32, #tpu.memory_space<vmem>>, vector<16x16xf32>
    %dot_general3A = arith.constant dense<0.000000e+00> : vector<10112x16xf32>
    %dot_general3A_27 = tpu.matmul %sub3A_23, %get3A_26, %dot_general3A {dimension_numbers = #tpu.dot_dimension_numbers<[1], [0], [0], [1], [0, 0, 1, 1], [], []>, transpose_lhs_hint = false} : vector<10112x16xf32>, vector<16x16xf32>, vector<10112x16xf32> -> vector<10112x16xf32>
    %slice3A = vector.extract_strided_slice %dot_general3A_27 {offsets = [0, 0], sizes = [10000, 7], strides = [1, 1]} : vector<10112x16xf32> to vector<10000x7xf32>
    %reduce_max3A = arith.constant dense<0xFF800000> : vector<7xf32>
    %reduce_max3A_28 = vector.multi_reduction <maximumf>, %slice3A, %reduce_max3A [0] : vector<10000x7xf32> to vector<7xf32>
    %broadcast_in_dim3A = vector.shape_cast %reduce_max3A_28 : vector<7xf32> to vector<1x7xf32>
    %sub3A_29 = vector.broadcast %broadcast_in_dim3A : vector<1x7xf32> to vector<10000x7xf32>
    %sub3A_30 = arith.subf %slice3A, %sub3A_29 : vector<10000x7xf32>
    %exp3A = math.exp %sub3A_30 : vector<10000x7xf32>
    %reduce_sum3A = arith.constant dense<0.000000e+00> : vector<7xf32>
    %reduce_sum3A_31 = vector.multi_reduction <add>, %exp3A, %reduce_sum3A [0] : vector<10000x7xf32> to vector<7xf32>
    %broadcast_in_dim3A_32 = vector.shape_cast %reduce_sum3A_31 : vector<7xf32> to vector<1x7xf32>
    %log3A = math.log %broadcast_in_dim3A_32 : vector<1x7xf32>
    %add3A_33 = arith.addf %log3A, %broadcast_in_dim3A : vector<1x7xf32>
    %sub3A_34 = vector.broadcast %add3A_33 : vector<1x7xf32> to vector<10000x7xf32>
    %sub3A_35 = arith.subf %slice3A, %sub3A_34 : vector<10000x7xf32>
    %swap3A = arith.constant 0 : index
    %swap3A_36 = arith.constant 0 : index
    %swap3A_37 = vector.load %arg4[%swap3A, %swap3A_36] : memref<10000x7xf32, #tpu.memory_space<vmem>>, vector<10000x7xf32>
    tpu.vector_store %arg4[%swap3A, %swap3A_36], %sub3A_35 {strides = array<i32>} : memref<10000x7xf32, #tpu.memory_space<vmem>>, vector<10000x7xf32>,
    return
  }
}

</mosaic_0001>

<sc_bundles>
// kernel: kernel.6.cloned.1.call-start
scs
__scs_entry_jumppad:
0x0: {  	(pc) =	sbr.rel $0x88, $3  }
0x1: {  	(tag) =	ssettag $0x0;
	lr =	simm.s32 $0x1  }
0x2: {  	[smem:$0x3F9D] =	sst lr;
	_ =	strace $0xD0000000  }
0x3: {  	_ = 	snop  }
0x4: {  	_ = 	snop  }
0x5: {  	_ = 	snop  }
0x6: {  	_ = 	snop  }
0x7: {  	_ = 	snop  }
__scs_overlays_trampoline_lowered:
0x8: {  	[smem:$0x3FAC] =	sst s0  }
0x9: {  	[smem:$0x3FAD] =	sst s1  }
0xa: {  	[smem:$0x3FAE] =	sst s2  }
0xb: {  	[smem:$0x3FAF] =	sst s3  }
0xc: {  	[smem:$0x3FB0] =	sst s4  }
0xd: {  	[smem:$0x3FB1] =	sst s5  }
0xe: {  	[smem:$0x3FB2] =	sst s6  }
0xf: {  	[smem:$0x3FB3] =	sst s7  }
0x10: {  	[smem:$0x3FB4] =	sst s8  }
0x11: {  	[smem:$0x3FB5] =	sst s9;
	s0 =	simm.s32 @!p0 $0x0  }
0x12: {  	s1 =	sld [smem:$0x3F9B];
	s0 =	simm.s32 @p0 $0x1  }
0x13: {  	[smem:$0x3FB6] =	sst s0;
	s0 =	simm.s32 @!p1 $0x0  }
0x14: {  	s2 =	sld [smem:$0x3F9A];
	s0 =	simm.s32 @p1 $0x1  }
0x15: {  	[smem:$0x3FB7] =	sst s0;
	s0 =	simm.s32 @!p2 $0x0  }
0x16: {  	s3 =	sld [smem:$0x3FDB];
	s0 =	simm.s32 @p2 $0x1  }
0x17: {  	s4 =	simm.s32 $0x1BF5;
	[smem:$0x3FB9] =	sst s0  }
0x18: {  	s0 =	sld [smem:$0x3F9C];
	_ =	swait.ge [sflag:s4], $0x0  }
0x19: {  	s7 =	sld [smem:$0x3F9D]  }
0x1a: {  	s8 =	sadd.s32 $0xFFFFE003, lr  }
0x1b: {  	s9 =	sadd.s32 $0xFFFFFEF7, lr;
	s5 =	simm.s32 $0xFFFFFFFF;
	p2 =	slt.u32 s8, $0xFFFFF086  }
0x1c: {  	p1 =	slt.u32 s9, $0xF7A;
	s5 =	simm.s32 @!p2 $0x0  }
0x1d: {  	s5 =	simm.s32 @p1 $0x1;
	p0 =	seq.s32 s7, s2  }
0x1e: {  	s7 =	smul.u32 @!p0 $0xF7A, s2;
	p2 =	seq.s32 @!p0 s5, $0x0  }
0x1f: {  	s9 =	smul.u32 $0xF7A, s1;
	s8 =	simm.s32 @!p0 $0x1BF5;
	p2 =	por !p2, p0  }
0x20: {  	[sflag:s8] =	ssyncset.s32 @!p0 $0xFFFFF086;
	s6 =	sadd.s32 @!p0 s3, s7;
	s7 =	simm.s32 @!p0 $0x108  }
0x21: {  	s3 =	sadd.s32 s3, s9;
	s6 =	sadd.s32 @!p0 $0x88, s6;
	s7 =	simm.s32 @p2 $0x1082  }
0x22: {  	[simem:s7], [sflag:s8] =	dma.local @!p0 [hbm:s6], $0xF7A  }
0x23: {  	s9 =	sor.u32 $0xD0000000, s2;
	s6 =	simm.s32 $0x108;
	_ =	swait.ge @!p0 [sflag:s8], $0x0  }
0x24: {  	s3 =	sadd.s32 $0x88, s3;
	s6 =	simm.s32 @!p1 $0x1082;
	[sflag:s4] =	ssyncset.s32 $0xFFFFF086  }
0x25: {  	[simem:s6], [sflag:s4] =	dma.local [hbm:s3], $0xF7A  }
0x26: {  	[smem:$0x3F9D] =	sst s1;
	(tag) =	ssettag s2;
	_ =	strace s9  }
0x27: {  	s1 =	sld [smem:$0x3FAD]  }
0x28: {  	s2 =	sld [smem:$0x3FAE]  }
0x29: {  	s4 =	sld [smem:$0x3FB0]  }
0x2a: {  	p0 =	seq.s32 s5, $0x0;
	s5 =	sld [smem:$0x3FB1]  }
0x2b: {  	s6 =	sld [smem:$0x3FB2]  }
0x2c: {  	s7 =	sld [smem:$0x3FB3]  }
0x2d: {  	s3 =	simm.s32 $0x108;
	s8 =	sld [smem:$0x3FB4]  }
0x2e: {  	s3 =	simm.s32 @!p0 $0x1082;
	s9 =	sld [smem:$0x3FB5]  }
0x2f: {  	lr =	sadd.s32 s0, s3;
	s0 =	sld [smem:$0x3FAC]  }
0x30: {  	s3 =	sld [smem:$0x3FAF]  }
0x31: {  	[smem:$0x3FB8] =	sst s10  }
0x32: {  	s10 =	sld [smem:$0x3FB6];
	_ =	sdelay $0x3  }
0x33: {  	p0 =	seq.s32 s10, $0x1;
	s10 =	sld [smem:$0x3FB8];
	_ =	sdelay $0x3  }
0x34: {  	[smem:$0x3FB8] =	sst s10  }
0x35: {  	s10 =	sld [smem:$0x3FB7];
	_ =	sdelay $0x3  }
0x36: {  	p1 =	seq.s32 s10, $0x1;
	s10 =	sld [smem:$0x3FB8];
	_ =	sdelay $0x3  }
0x37: {  	[smem:$0x3FB8] =	sst s10  }
0x38: {  	s10 =	sld [smem:$0x3FB9]  }
0x39: {  	_ = 	snop;
	(pc) =	sbr.ind lr, $3  }
0x3a: {  	_ = 	snop  }
0x3b: {  	_ = 	snop  }
0x3c: {  	p2 =	seq.s32 s10, $0x1;
	s10 =	sld [smem:$0x3FB8]  }
0x3d: {  	_ =	shalt  }
0x3e: {  	_ =	shalt  }
0x3f: {  	_ =	shalt  }
0x40: {  	_ =	shalt  }
0x41: {  	_ =	shalt  }
0x42: {  	_ =	shalt  }
0x43: {  	_ =	shalt  }
0x44: {  	_ =	shalt  }
0x45: {  	_ =	shalt  }
0x46: {  	_ =	shalt  }
0x47: {  	_ =	shalt  }
0x48: {  	_ =	shalt  }
0x49: {  	_ =	shalt  }
0x4a: {  	_ =	shalt  }
0x4b: {  	_ =	shalt  }
0x4c: {  	_ =	shalt  }
0x4d: {  	_ =	shalt  }
0x4e: {  	_ =	shalt  }
0x4f: {  	_ =	shalt  }
0x50: {  	_ =	shalt  }
0x51: {  	_ =	shalt  }
0x52: {  	_ =	shalt  }
0x53: {  	_ =	shalt  }
0x54: {  	_ =	shalt  }
0x55: {  	_ =	shalt  }
0x56: {  	_ =	shalt  }
0x57: {  	_ =	shalt  }
0x58: {  	_ =	shalt  }
0x59: {  	_ =	shalt  }
0x5a: {  	_ =	shalt  }
0x5b: {  	_ =	shalt  }
0x5c: {  	_ =	shalt  }
0x5d: {  	_ =	shalt  }
0x5e: {  	_ =	shalt  }
0x5f: {  	_ =	shalt  }
0x60: {  	_ =	shalt  }
0x61: {  	_ =	shalt  }
0x62: {  	_ =	shalt  }
0x63: {  	_ =	shalt  }
0x64: {  	_ =	shalt  }
0x65: {  	_ =	shalt  }
0x66: {  	_ =	shalt  }
0x67: {  	_ =	shalt  }
0x68: {  	_ =	shalt  }
0x69: {  	_ =	shalt  }
0x6a: {  	_ =	shalt  }
0x6b: {  	_ =	shalt  }
0x6c: {  	_ =	shalt  }
0x6d: {  	_ =	shalt  }
0x6e: {  	_ =	shalt  }
0x6f: {  	_ =	shalt  }
0x70: {  	_ =	shalt  }
0x71: {  	_ =	shalt  }
0x72: {  	_ =	shalt  }
0x73: {  	_ =	shalt  }
0x74: {  	_ =	shalt  }
0x75: {  	_ =	shalt  }
0x76: {  	_ =	shalt  }
0x77: {  	_ =	shalt  }
0x78: {  	_ =	shalt  }
0x79: {  	_ =	shalt  }
0x7a: {  	_ =	shalt  }
0x7b: {  	_ =	shalt  }
0x7c: {  	_ =	shalt  }
0x7d: {  	_ =	shalt  }
0x7e: {  	_ =	shalt  }
0x7f: {  	_ =	shalt  }
0x80: {  	_ =	shalt  }
0x81: {  	_ =	shalt  }
0x82: {  	_ =	shalt  }
0x83: {  	_ =	shalt  }
0x84: {  	_ =	shalt  }
0x85: {  	_ =	shalt  }
0x86: {  	_ =	shalt  }
0x87: {  	_ =	shalt  }
.Lfunc_end0:
.L_simem_size_0:
called_computation_lowered:
.L_overlay_start_0:
0x88: {  	s2 =	sld [smem:$0x3FD9]  }
0x89: {  	s3 =	sld [smem:$0x3FFE];
	_ =	sdelay $0x1  }
0x8a: {  	s1 =	srdreg.scid  }
0x8b: {  	s0 =	sand.u32 $0x1, s1  }
0x8c: {  	s16 =	sshll.u32 s0, $0xA;
	s2 =	sadd.s32 s3, s2  }
0x8d: {  	s2 =	sadd.s32 s2, s16  }
0x8e: {  	[smem:$0x3FC4] =	sst s2  }
0x8f: {  	_ = 	snop  }
0x90: {  	(tm) =	ssettm $0x1  }
0x91: {  	s17 =	sld [smem:$0x3FFB];
	_ =	sdelay $0x3  }
0x92: {  	_ =	strace s17  }
0x93: {  	s2 =	sld [smem:$0x3FFC];
	_ =	sdelay $0x3  }
0x94: {  	_ =	strace s2  }
0x95: {  	s2 =	sld [smem:$0x3FFD];
	_ =	sdelay $0x3  }
0x96: {  	_ =	strace s2  }
0x97: {  	_ =	strace $0x8FFFFFFF  }
0x98: {  	s18 =	sld [smem:$0x3FDB];
	_ =	sdelay $0x1  }
0x99: {  	s19 =	simm.s32 $_scs_section_size  }
0x9a: {  	s4 =	simm.s32 $_size__tile_overlayer_lowered;
	s5 =	simm.s32 $_tile_overlayer_lowered  }
0x9b: {  	s22 =	simm.s32 $0x1BFF;
	s21 =	sshll.u32 s5, $0x1;
	s2 =	sadd.s32 s19, s18  }
0x9c: {  	s6 =	simm.s32 $0x0;
	s20 =	sshll.u32 s4, $0x1;
	s4 =	sadd.s32 s21, s2  }
0x9d: {  	[timem:s6], [sflag:s22] =	dma.local [hbm:s4], s20  }
0x9e: {  	_ =	swait.ge [sflag:s22], s20  }
0x9f: {  	s3 =	ssub.s32 $0x0, s20;
	[sflag:s22] =	ssyncset.done $0x0  }
0xa0: {  	[sflag:s22] =	ssyncadd.s32 s3;
	_ =	sdelay $0x1  }
0xa1: {  	s23 =	simm.s32 $0x1B8B  }
0xa2: {  	_ =	swait.ge [sflag:s23], $0x1  }
0xa3: {  	[sflag:s23] =	ssyncset.done $0x0  }
0xa4: {  	s25 =	simm.s32 $0x1B8E;
	s24 =	sld [smem:$0x3FFE];
	[sflag:s23] =	ssyncadd.s32 $0xFFFFFFFF  }
0xa5: {  	s26 =	simm.s32 $execute0_lowered;
	[smem:$0x3FD2] =	sst s25  }
0xa6: {  	s4 =	sshll.u32 s26, $0x1;
	_ =	strace $0x80000046;
	[dreg:$0x1] =	wrdreg $0xFFFFFFFF  }
0xa7: {  	s28 =	simm.s32 $_size_execute0_lowered;
	s2 =	sadd.s32 s2, s4;
	[dreg:$0x0] =	wrdreg $0x0  }
0xa8: {  	s4 =	sshll.u32 s28, $0x1;
	[dreg:$0x2] =	wrdreg s2  }
0xa9: {  	[dreg:$0x3] =	wrdreg s4  }
0xaa: {  	[dreg:$0x4] =	wrdreg $0xC0  }
0xab: {  	_ =	task [dreg:s6], $0x5FFFF  }
0xac: {  	[dreg:$0x1] =	wrdreg $0xFFFFFFFF  }
0xad: {  	[dreg:$0x0] =	wrdreg $0x60  }
0xae: {  	[dreg:$0x2] =	wrdreg s24  }
0xaf: {  	[dreg:$0x3] =	wrdreg $0x61000  }
0xb0: {  	[dreg:$0x4] =	wrdreg $0x88800  }
0xb1: {  	[dreg:$0x5] =	wrdreg $0x9  }
0xb2: {  	_ =	task.clear_ibuf [dreg:s6], $0x6FFFF;
	_ =	strace $0x90000046  }
0xb3: {  	s29 =	simm.s32 $0x9;
	_ =	strace $0x80000048  }
0xb4: {  	_ =	swait.ge [sflag:s29], $0x1  }
0xb5: {  	[sflag:s29] =	ssyncadd.s32 $0xFFFFFFFF  }
0xb6: {  	_ =	strace $0x90000048  }
0xb7: {  	_ =	sfence  }
0xb8: {  	s30 =	sld [smem:$0x0];
	_ =	sdelay $0x2  }
0xb9: {  	s31 =	sshll.u32 s1, $0xD;
	s1 =	sshrl.u32 s1, $0x2  }
0xba: {  	s3 =	sand.u32 $0x4000, s31;
	s1 =	sadd.s32 s1, s30  }
0xbb: {  	s0 =	sor.u32 s3, s0;
	s1 =	sshll.u32 s1, $0x11  }
0xbc: {  	s0 =	sor.u32 s1, s0  }
0xbd: {  	s0 =	sadd.s32 $0x8F2B, s0  }
0xbe: {  	[sflag:s0] =	ssyncadd.remote.s32 $0x1  }
0xbf: {  	_ =	sfence.sel $0xFFFF  }
0xc0: {  	[dreg:$0x0] =	wrdreg $0xFFFFFFFF;
	(pc) =	sbr.abs _section_cstart, $3  }
0xc1: {  	[dreg:$0x1] =	wrdreg $0xFFFFFFFF  }
0xc2: {  	_ =	task.clear_ibuf [dreg:s6], $0x2FFFF;
	_ =	strace $0x9FFFFFFF  }
0xc3: {  	(tm) =	ssettm $0x7FFFFFFF  }
tec
execute0_lowered:
.L_overlay_start_1:
0x0: {  	(tag) =	ssettag $0x1  }
0x1: {  	s5 =	rddreg [dreg:$0x0]  }
0x2: {  	s0 =	srdreg.scid;
	s2 =	rddreg [dreg:$0x1]  }
0x3: {  	s3 =	rddreg [dreg:$0x2];
	s4 =	simm.s32 $0x0;
	s15 =	simm.s32 $0x80  }
0x4: {  	s16 =	simm.s32 $0x5100;
	s17 =	simm.s32 $0x5900;
	s18 =	simm.s32 $0x1  }
0x5: {  	s19 =	simm.s32 $0x2;
	s6 =	sand.u32 $0x1, s0;
	s0 =	stileid.u32  }
0x6: {  	s20 =	simm.s32 $0x0;
	[smem:$0x7FF] =	sst s4;
	s8 =	smul.u32 $0x2780, s0  }
0x7: {  	s1 =	sshll.u32 s6, $0x4;
	s11 =	smul.u32 $0x27800, s6;
	s6 =	ssub.s32 $0x2, s6  }
0x8: {  	s31 =	sshll.u32 s0, $0x6;
	s7 =	sor.u32 s0, s1;
	s1 =	rddreg [dreg:$0x3]  }
0x9: {  	_ =	strace $0x80000047;
	s12 =	sshrl.u32 s6, $0x1;
	s9 =	smul.u32 $0x520, s7  }
0xa: {  	s10 =	sshrl.u32 s8, $0x3;
	s7 =	smul.u32 $0x500, s7;
	s11 =	sadd.s32 s8, s11  }
0xb: {  	s12 =	ssub.s32 s6, s12;
	s13 =	sadd.s32 s8, s2;
	s14 =	sadd.s32 s8, s3  }
0xc: {  	s10 =	sadd.s32 s10, s5;
	s11 =	sshrl.u32 s11, $0x3;
	s13 =	sshrl.u32 s13, $0x3  }
0xd: {  	s14 =	sshrl.u32 s14, $0x3;
	s9 =	sadd.s32 s9, s5;
	s7 =	sadd.s32 s7, s5  }
0xe: {  	s11 =	sadd.s32 s11, s5;
	s5 =	sadd.s32 $0x600, s9;
	s6 =	sadd.s32 $0xFA00, s7  }
0xf: {  	s7 =	sadd.s32 $0xAA00, s10;
	s8 =	sadd.s32 $0x19A00, s11;
	s9 =	smax.u32 s12, $0x1  }
0x10: {  	s10 =	simm.s32 $0x3;
	s11 =	simm.s32 $0x2900;
	s12 =	sor.u32 $0x1C03, s31  }
.LBB2_1:
0x11: {  	[tilespmem:s4], [sflag:$0x3] =	stream.linear.gather [hbm4b:s5+s4], $0x2900, $0x38;
	[tilespmem:$0xB000] =	vst v63  }
0x12: {  	_ =	swait.ge [sflag:s10], $0x2900  }
0x13: {  	[sflag:s10] =	ssyncset.done $0x0  }
0x14: {  	[sflag:s10] =	ssyncadd.s32 $0xFFFFD700  }
0x15: {  	[tilespmem:s11], [sflag:$0x3] =	stream.linear.gather [hbm4b:s6+s4], $0x2800, $0x38;
	[tilespmem:$0xB000] =	vst v63  }
0x16: {  	_ =	swait.ge [sflag:s10], $0x2800  }
0x17: {  	[sflag:s10] =	ssyncset.done $0x0  }
0x18: {  	[sflag:s10] =	ssyncadd.s32 $0xFFFFD800  }
0x19: {  	[spmem:s13], [sflag:s12] =	dma.local [hbm:s7], $0x4F0  }
0x1a: {  	_ =	swait.ge [sflag:s10], $0x4F0  }
0x1b: {  	[sflag:s10] =	ssyncset.done $0x0  }
0x1c: {  	[sflag:s10] =	ssyncadd.s32 $0xFFFFFB10  }
0x1d: {  	[spmem:s14], [sflag:s12] =	dma.local [hbm:s7], $0x4F0  }
0x1e: {  	_ =	swait.ge [sflag:s10], $0x4F0  }
0x1f: {  	[sflag:s10] =	ssyncset.done $0x0  }
0x20: {  	[sflag:s10] =	ssyncadd.s32 $0xFFFFFB10  }
0x21: {  	[bflag:$0x0] =	sbarrier.arrive $0xFFFF  }
0x22: {  	[tilespmem:s16], [sflag:$0x1] =	stream.indirect.gather [spmem:s2], $0x10, s4, s15, $0xb8;
	[tilespmem:$0xB000] =	vst v63  }
0x23: {  	s21 =	simm.s32 $0x80  }
0x24: {  	[tilespmem:s17], [sflag:$0x2] =	stream.indirect.gather [spmem:s2], $0x10, s21, s15, $0xb8;
	[tilespmem:$0xB000] =	vst v63  }
0x25: {  	_ =	swait.ge [sflag:s18], $0x800  }
0x26: {  	[sflag:s18] =	ssyncset.done $0x0  }
0x27: {  	s29 =	simm.s32 $0x2900;
	[sflag:s18] =	ssyncadd.s32 $0xFFFFF800  }
0x28: {  	[spmem:s3] =	stream.indirect.scatter.add.f32 [tilespmem:s16], [sflag:$0x3], $0x10, s29, s15, $0xb8;
	[tilespmem:$0xB000] =	vst v63  }
0x29: {  	_ =	swait.ge [sflag:s10], $0x800  }
0x2a: {  	[sflag:s10] =	ssyncset.done $0x0  }
0x2b: {  	s30 =	simm.s32 $0x100;
	[sflag:s10] =	ssyncadd.s32 $0xFFFFF800  }
0x2c: {  	[tilespmem:s16], [sflag:$0x1] =	stream.indirect.gather [spmem:s2], $0x10, s30, s15, $0xb8;
	[tilespmem:$0xB000] =	vst v63  }
0x2d: {  	_ =	swait.ge [sflag:s19], $0x800  }
0x2e: {  	[sflag:s19] =	ssyncset.done $0x0  }
0x2f: {  	s31 =	simm.s32 $0x2980;
	[sflag:s19] =	ssyncadd.s32 $0xFFFFF800  }
0x30: {  	[spmem:s3] =	stream.indirect.scatter.add.f32 [tilespmem:s17], [sflag:$0x3], $0x10, s31, s15, $0xb8;
	[tilespmem:$0xB000] =	vst v63  }
0x31: {  	_ =	swait.ge [sflag:s10], $0x800  }
0x32: {  	s22 =	simm.s32 $0x800;
	s21 =	simm.s32 $0x100;
	[sflag:s10] =	ssyncset.done $0x0  }
.LBB2_2:
0x33: {  	s23 =	sadd.s32 $0x80, s21  }
0x34: {  	[sflag:s10] =	ssyncadd.s32 $0xFFFFF800;
	s24 =	smov.u32 s22;
	s25 =	sadd.s32 $0x400, s22  }
0x35: {  	[tilespmem:s17], [sflag:$0x2] =	stream.indirect.gather [spmem:s2], $0x10, s23, s15, $0xb8;
	[tilespmem:$0xB000] =	vst v63  }
0x36: {  	p0 =	sne.s32 s22, $0x9C00;
	_ =	swait.ge [sflag:s18], $0x800  }
0x37: {  	[sflag:s18] =	ssyncset.done $0x0  }
0x38: {  	s22 =	sadd.s32 $0x2900, s21;
	[sflag:s18] =	ssyncadd.s32 $0xFFFFF800  }
0x39: {  	[spmem:s3] =	stream.indirect.scatter.add.f32 [tilespmem:s16], [sflag:$0x3], $0x10, s22, s15, $0xb8;
	[tilespmem:$0xB000] =	vst v63  }
0x3a: {  	_ =	swait.ge [sflag:s10], $0x800  }
0x3b: {  	[sflag:s10] =	ssyncset.done $0x0  }
0x3c: {  	s22 =	sadd.s32 $0x100, s21;
	[sflag:s10] =	ssyncadd.s32 $0xFFFFF800  }
0x3d: {  	[tilespmem:s16], [sflag:$0x1] =	stream.indirect.gather [spmem:s2], $0x10, s22, s15, $0xb8;
	[tilespmem:$0xB000] =	vst v63  }
0x3e: {  	_ =	swait.ge [sflag:s19], $0x800  }
.Ltmp0:
0x3f: {  	[sflag:s19] =	ssyncset.done $0x0;
	(pc) =	sbr.rel @p0 .LBB2_2-.Ltmp0, $4  }
0x40: {  	s21 =	sadd.s32 $0x2980, s21;
	[sflag:s19] =	ssyncadd.s32 $0xFFFFF800  }
0x41: {  	[spmem:s3] =	stream.indirect.scatter.add.f32 [tilespmem:s17], [sflag:$0x3], $0x10, s21, s15, $0xb8;
	[tilespmem:$0xB000] =	vst v63  }
0x42: {  	_ =	swait.ge [sflag:s10], $0x800  }
0x43: {  	s22 =	smov.u32 s25;
	s21 =	sshra.s32 s24, $0x2;
	[sflag:s10] =	ssyncset.done $0x0  }
0x44: {  	s22 =	sadd.s32 $0x80, s21;
	[sflag:s10] =	ssyncadd.s32 $0xFFFFF800  }
0x45: {  	[tilespmem:s17], [sflag:$0x2] =	stream.indirect.gather [spmem:s2], $0x10, s22, s15, $0xb8;
	[tilespmem:$0xB000] =	vst v63  }
0x46: {  	_ =	swait.ge [sflag:s18], $0x800  }
0x47: {  	[sflag:s18] =	ssyncset.done $0x0  }
0x48: {  	s29 =	sadd.s32 $0x2900, s21;
	[sflag:s18] =	ssyncadd.s32 $0xFFFFF800  }
0x49: {  	[spmem:s3] =	stream.indirect.scatter.add.f32 [tilespmem:s16], [sflag:$0x3], $0x10, s29, s15, $0xb8;
	[tilespmem:$0xB000] =	vst v63  }
0x4a: {  	_ =	swait.ge [sflag:s10], $0x800  }
0x4b: {  	[sflag:s10] =	ssyncset.done $0x0  }
0x4c: {  	s30 =	sadd.s32 $0x100, s21;
	[sflag:s10] =	ssyncadd.s32 $0xFFFFF800  }
0x4d: {  	[tilespmem:s16], [sflag:$0x1] =	stream.indirect.gather [spmem:s2], $0x10, s30, s15, $0xb8;
	[tilespmem:$0xB000] =	vst v63  }
0x4e: {  	_ =	swait.ge [sflag:s19], $0x800  }
0x4f: {  	[sflag:s19] =	ssyncset.done $0x0  }
0x50: {  	s31 =	sadd.s32 $0x2980, s21;
	[sflag:s19] =	ssyncadd.s32 $0xFFFFF800  }
0x51: {  	[spmem:s3] =	stream.indirect.scatter.add.f32 [tilespmem:s17], [sflag:$0x3], $0x10, s31, s15, $0xb8;
	[tilespmem:$0xB000] =	vst v63  }
0x52: {  	_ =	swait.ge [sflag:s10], $0x800  }
0x53: {  	[sflag:s10] =	ssyncset.done $0x0  }
0x54: {  	[sflag:s10] =	ssyncadd.s32 $0xFFFFF800  }
0x55: {  	_ =	swait.ge [sflag:s18], $0x800  }
0x56: {  	s20 =	sadd.s32 $0x1, s20;
	[sflag:s18] =	ssyncset.done $0x0  }
0x57: {  	p0 =	sne.s32 s20, s9;
	[sflag:s18] =	ssyncadd.s32 $0xFFFFF800  }
.Ltmp1:
0x58: {  	[bflag:$0x0] =	sbarrier.arrive $0xFFFF;
	(pc) =	sbr.rel @p0 .LBB2_1-.Ltmp1, $4  }
0x59: {  	[hbm:s8], [sflag:s12] =	dma.local [spmem:s14], $0x4F0  }
0x5a: {  	_ =	swait.ge [sflag:s10], $0x4F0  }
0x5b: {  	[sflag:s10] =	ssyncset.done $0x0  }
0x5c: {  	[sflag:s10] =	ssyncadd.s32 $0xFFFFFB10  }
0x5d: {  	_ =	sfence.sel $0x180000  }
0x5e: {  	[bflag:$0x0] =	sbarrier.arrive $0xFFFF  }
0x5f: {  	p0 =	sne.s32 s0, $0x0;
	_ =	strace $0x90000047  }
0x60: {  	s0 =	sadd.s32 @!p0 $0x100000, s1;
	[bflag:$0x2] =	sbarrier.arrive $0xFFFF  }
0x61: {  	[sflag:s0] =	ssyncadd.tile.s32 @!p0 $0x1;
	_ =	shalt  }
.Lfunc_end2:
_tile_overlayer_lowered:
.L_overlay_start_2:
0x62: {  	(tag) =	ssettag $0x2  }
0x63: {  	s0 =	rddreg [dreg:$0x0];
	s2 =	stileid.u32  }
0x64: {  	s1 =	rddreg [dreg:$0x1];
	p0 =	sne.s32 s2, $0x0  }
0x65: {  	s3 =	rddreg [dreg:$0x2];
	[bflag:$0x3] =	sbarrier.arrive $0xFFFF;
	s2 =	simm.s32 @!p0 $0x1C03  }
0x66: {  	[timem:s3], [sflag:s2] =	dma.local @!p0 [hbm:s0], s1  }
0x67: {  	s0 =	simm.s32 @!p0 $0x3  }
0x68: {  	_ =	swait.ge @!p0 [sflag:s0], s1  }
0x69: {  	s1 =	ssub.s32 @!p0 $0x0, s1;
	[sflag:s0] =	ssyncset.done @!p0 $0x0  }
0x6a: {  	[sflag:s0] =	ssyncadd.s32 @!p0 s1  }
0x6b: {  	[bflag:$0x3] =	sbarrier.arrive $0xFFFF  }
0x6c: {  	_ =	shalt  }

// kernel: kernel.9.cloned.1.call-start
scs
__scs_entry_jumppad:
0x0: {  	(pc) =	sbr.rel $0x88, $3  }
0x1: {  	(tag) =	ssettag $0x0;
	lr =	simm.s32 $0x1  }
0x2: {  	[smem:$0x3F9D] =	sst lr;
	_ =	strace $0xD0000000  }
0x3: {  	_ = 	snop  }
0x4: {  	_ = 	snop  }
0x5: {  	_ = 	snop  }
0x6: {  	_ = 	snop  }
0x7: {  	_ = 	snop  }
__scs_overlays_trampoline_lowered:
0x8: {  	[smem:$0x3FAC] =	sst s0  }
0x9: {  	[smem:$0x3FAD] =	sst s1  }
0xa: {  	[smem:$0x3FAE] =	sst s2  }
0xb: {  	[smem:$0x3FAF] =	sst s3  }
0xc: {  	[smem:$0x3FB0] =	sst s4  }
0xd: {  	[smem:$0x3FB1] =	sst s5  }
0xe: {  	[smem:$0x3FB2] =	sst s6  }
0xf: {  	[smem:$0x3FB3] =	sst s7  }
0x10: {  	[smem:$0x3FB4] =	sst s8  }
0x11: {  	[smem:$0x3FB5] =	sst s9;
	s0 =	simm.s32 @!p0 $0x0  }
0x12: {  	s1 =	sld [smem:$0x3F9B];
	s0 =	simm.s32 @p0 $0x1  }
0x13: {  	[smem:$0x3FB6] =	sst s0;
	s0 =	simm.s32 @!p1 $0x0  }
0x14: {  	s2 =	sld [smem:$0x3F9A];
	s0 =	simm.s32 @p1 $0x1  }
0x15: {  	[smem:$0x3FB7] =	sst s0;
	s0 =	simm.s32 @!p2 $0x0  }
0x16: {  	s3 =	sld [smem:$0x3FDB];
	s0 =	simm.s32 @p2 $0x1  }
0x17: {  	s4 =	simm.s32 $0x1BF5;
	[smem:$0x3FB9] =	sst s0  }
0x18: {  	s0 =	sld [smem:$0x3F9C];
	_ =	swait.ge [sflag:s4], $0x0  }
0x19: {  	s7 =	sld [smem:$0x3F9D]  }
0x1a: {  	s8 =	sadd.s32 $0xFFFFE003, lr  }
0x1b: {  	s9 =	sadd.s32 $0xFFFFFEF7, lr;
	s5 =	simm.s32 $0xFFFFFFFF;
	p2 =	slt.u32 s8, $0xFFFFF086  }
0x1c: {  	p1 =	slt.u32 s9, $0xF7A;
	s5 =	simm.s32 @!p2 $0x0  }
0x1d: {  	s5 =	simm.s32 @p1 $0x1;
	p0 =	seq.s32 s7, s2  }
0x1e: {  	s7 =	smul.u32 @!p0 $0xF7A, s2;
	p2 =	seq.s32 @!p0 s5, $0x0  }
0x1f: {  	s9 =	smul.u32 $0xF7A, s1;
	s8 =	simm.s32 @!p0 $0x1BF5;
	p2 =	por !p2, p0  }
0x20: {  	[sflag:s8] =	ssyncset.s32 @!p0 $0xFFFFF086;
	s6 =	sadd.s32 @!p0 s3, s7;
	s7 =	simm.s32 @!p0 $0x108  }
0x21: {  	s3 =	sadd.s32 s3, s9;
	s6 =	sadd.s32 @!p0 $0x88, s6;
	s7 =	simm.s32 @p2 $0x1082  }
0x22: {  	[simem:s7], [sflag:s8] =	dma.local @!p0 [hbm:s6], $0xF7A  }
0x23: {  	s9 =	sor.u32 $0xD0000000, s2;
	s6 =	simm.s32 $0x108;
	_ =	swait.ge @!p0 [sflag:s8], $0x0  }
0x24: {  	s3 =	sadd.s32 $0x88, s3;
	s6 =	simm.s32 @!p1 $0x1082;
	[sflag:s4] =	ssyncset.s32 $0xFFFFF086  }
0x25: {  	[simem:s6], [sflag:s4] =	dma.local [hbm:s3], $0xF7A  }
0x26: {  	[smem:$0x3F9D] =	sst s1;
	(tag) =	ssettag s2;
	_ =	strace s9  }
0x27: {  	s1 =	sld [smem:$0x3FAD]  }
0x28: {  	s2 =	sld [smem:$0x3FAE]  }
0x29: {  	s4 =	sld [smem:$0x3FB0]  }
0x2a: {  	p0 =	seq.s32 s5, $0x0;
	s5 =	sld [smem:$0x3FB1]  }
0x2b: {  	s6 =	sld [smem:$0x3FB2]  }
0x2c: {  	s7 =	sld [smem:$0x3FB3]  }
0x2d: {  	s3 =	simm.s32 $0x108;
	s8 =	sld [smem:$0x3FB4]  }
0x2e: {  	s3 =	simm.s32 @!p0 $0x1082;
	s9 =	sld [smem:$0x3FB5]  }
0x2f: {  	lr =	sadd.s32 s0, s3;
	s0 =	sld [smem:$0x3FAC]  }
0x30: {  	s3 =	sld [smem:$0x3FAF]  }
0x31: {  	[smem:$0x3FB8] =	sst s10  }
0x32: {  	s10 =	sld [smem:$0x3FB6];
	_ =	sdelay $0x3  }
0x33: {  	p0 =	seq.s32 s10, $0x1;
	s10 =	sld [smem:$0x3FB8];
	_ =	sdelay $0x3  }
0x34: {  	[smem:$0x3FB8] =	sst s10  }
0x35: {  	s10 =	sld [smem:$0x3FB7];
	_ =	sdelay $0x3  }
0x36: {  	p1 =	seq.s32 s10, $0x1;
	s10 =	sld [smem:$0x3FB8];
	_ =	sdelay $0x3  }
0x37: {  	[smem:$0x3FB8] =	sst s10  }
0x38: {  	s10 =	sld [smem:$0x3FB9]  }
0x39: {  	_ = 	snop;
	(pc) =	sbr.ind lr, $3  }
0x3a: {  	_ = 	snop  }
0x3b: {  	_ = 	snop  }
0x3c: {  	p2 =	seq.s32 s10, $0x1;
	s10 =	sld [smem:$0x3FB8]  }
0x3d: {  	_ =	shalt  }
0x3e: {  	_ =	shalt  }
0x3f: {  	_ =	shalt  }
0x40: {  	_ =	shalt  }
0x41: {  	_ =	shalt  }
0x42: {  	_ =	shalt  }
0x43: {  	_ =	shalt  }
0x44: {  	_ =	shalt  }
0x45: {  	_ =	shalt  }
0x46: {  	_ =	shalt  }
0x47: {  	_ =	shalt  }
0x48: {  	_ =	shalt  }
0x49: {  	_ =	shalt  }
0x4a: {  	_ =	shalt  }
0x4b: {  	_ =	shalt  }
0x4c: {  	_ =	shalt  }
0x4d: {  	_ =	shalt  }
0x4e: {  	_ =	shalt  }
0x4f: {  	_ =	shalt  }
0x50: {  	_ =	shalt  }
0x51: {  	_ =	shalt  }
0x52: {  	_ =	shalt  }
0x53: {  	_ =	shalt  }
0x54: {  	_ =	shalt  }
0x55: {  	_ =	shalt  }
0x56: {  	_ =	shalt  }
0x57: {  	_ =	shalt  }
0x58: {  	_ =	shalt  }
0x59: {  	_ =	shalt  }
0x5a: {  	_ =	shalt  }
0x5b: {  	_ =	shalt  }
0x5c: {  	_ =	shalt  }
0x5d: {  	_ =	shalt  }
0x5e: {  	_ =	shalt  }
0x5f: {  	_ =	shalt  }
0x60: {  	_ =	shalt  }
0x61: {  	_ =	shalt  }
0x62: {  	_ =	shalt  }
0x63: {  	_ =	shalt  }
0x64: {  	_ =	shalt  }
0x65: {  	_ =	shalt  }
0x66: {  	_ =	shalt  }
0x67: {  	_ =	shalt  }
0x68: {  	_ =	shalt  }
0x69: {  	_ =	shalt  }
0x6a: {  	_ =	shalt  }
0x6b: {  	_ =	shalt  }
0x6c: {  	_ =	shalt  }
0x6d: {  	_ =	shalt  }
0x6e: {  	_ =	shalt  }
0x6f: {  	_ =	shalt  }
0x70: {  	_ =	shalt  }
0x71: {  	_ =	shalt  }
0x72: {  	_ =	shalt  }
0x73: {  	_ =	shalt  }
0x74: {  	_ =	shalt  }
0x75: {  	_ =	shalt  }
0x76: {  	_ =	shalt  }
0x77: {  	_ =	shalt  }
0x78: {  	_ =	shalt  }
0x79: {  	_ =	shalt  }
0x7a: {  	_ =	shalt  }
0x7b: {  	_ =	shalt  }
0x7c: {  	_ =	shalt  }
0x7d: {  	_ =	shalt  }
0x7e: {  	_ =	shalt  }
0x7f: {  	_ =	shalt  }
0x80: {  	_ =	shalt  }
0x81: {  	_ =	shalt  }
0x82: {  	_ =	shalt  }
0x83: {  	_ =	shalt  }
0x84: {  	_ =	shalt  }
0x85: {  	_ =	shalt  }
0x86: {  	_ =	shalt  }
0x87: {  	_ =	shalt  }
.Lfunc_end0:
.L_simem_size_0:
called_computation.1_lowered:
.L_overlay_start_0:
0x88: {  	s2 =	sld [smem:$0x3FD9]  }
0x89: {  	s3 =	sld [smem:$0x3FFE];
	_ =	sdelay $0x1  }
0x8a: {  	s1 =	srdreg.scid  }
0x8b: {  	s0 =	sand.u32 $0x1, s1  }
0x8c: {  	s16 =	sshll.u32 s0, $0xA;
	s2 =	sadd.s32 s3, s2  }
0x8d: {  	s2 =	sadd.s32 s2, s16  }
0x8e: {  	[smem:$0x3FC4] =	sst s2  }
0x8f: {  	_ = 	snop  }
0x90: {  	(tm) =	ssettm $0x1  }
0x91: {  	s17 =	sld [smem:$0x3FFB];
	_ =	sdelay $0x3  }
0x92: {  	_ =	strace s17  }
0x93: {  	s2 =	sld [smem:$0x3FFC];
	_ =	sdelay $0x3  }
0x94: {  	_ =	strace s2  }
0x95: {  	s2 =	sld [smem:$0x3FFD];
	_ =	sdelay $0x3  }
0x96: {  	_ =	strace s2  }
0x97: {  	_ =	strace $0x8FFFFFFF  }
0x98: {  	s18 =	sld [smem:$0x3FDB];
	_ =	sdelay $0x1  }
0x99: {  	s19 =	simm.s32 $_scs_section_size  }
0x9a: {  	s4 =	simm.s32 $_size__tile_overlayer_lowered;
	s5 =	simm.s32 $_tile_overlayer_lowered  }
0x9b: {  	s22 =	simm.s32 $0x1BFF;
	s21 =	sshll.u32 s5, $0x1;
	s2 =	sadd.s32 s19, s18  }
0x9c: {  	s6 =	simm.s32 $0x0;
	s20 =	sshll.u32 s4, $0x1;
	s4 =	sadd.s32 s21, s2  }
0x9d: {  	[timem:s6], [sflag:s22] =	dma.local [hbm:s4], s20  }
0x9e: {  	_ =	swait.ge [sflag:s22], s20  }
0x9f: {  	s3 =	ssub.s32 $0x0, s20;
	[sflag:s22] =	ssyncset.done $0x0  }
0xa0: {  	[sflag:s22] =	ssyncadd.s32 s3;
	_ =	sdelay $0x1  }
0xa1: {  	s23 =	simm.s32 $0x1B8B  }
0xa2: {  	_ =	swait.ge [sflag:s23], $0x1  }
0xa3: {  	[sflag:s23] =	ssyncset.done $0x0  }
0xa4: {  	s25 =	simm.s32 $0x1B8E;
	s24 =	sld [smem:$0x3FFE];
	[sflag:s23] =	ssyncadd.s32 $0xFFFFFFFF  }
0xa5: {  	s26 =	simm.s32 $execute0_lowered;
	[smem:$0x3FD2] =	sst s25  }
0xa6: {  	s4 =	sshll.u32 s26, $0x1;
	_ =	strace $0x80000049;
	[dreg:$0x1] =	wrdreg $0xFFFFFFFF  }
0xa7: {  	s28 =	simm.s32 $_size_execute0_lowered;
	s2 =	sadd.s32 s2, s4;
	[dreg:$0x0] =	wrdreg $0x0  }
0xa8: {  	s4 =	sshll.u32 s28, $0x1;
	[dreg:$0x2] =	wrdreg s2  }
0xa9: {  	[dreg:$0x3] =	wrdreg s4  }
0xaa: {  	[dreg:$0x4] =	wrdreg $0xC0  }
0xab: {  	_ =	task [dreg:s6], $0x5FFFF  }
0xac: {  	[dreg:$0x1] =	wrdreg $0xFFFFFFFF  }
0xad: {  	[dreg:$0x0] =	wrdreg $0x60  }
0xae: {  	[dreg:$0x2] =	wrdreg s24  }
0xaf: {  	[dreg:$0x3] =	wrdreg $0x61000  }
0xb0: {  	[dreg:$0x4] =	wrdreg $0x88800  }
0xb1: {  	[dreg:$0x5] =	wrdreg $0x9  }
0xb2: {  	_ =	task.clear_ibuf [dreg:s6], $0x6FFFF;
	_ =	strace $0x90000049  }
0xb3: {  	s29 =	simm.s32 $0x9;
	_ =	strace $0x8000004B  }
0xb4: {  	_ =	swait.ge [sflag:s29], $0x1  }
0xb5: {  	[sflag:s29] =	ssyncadd.s32 $0xFFFFFFFF  }
0xb6: {  	_ =	strace $0x9000004B  }
0xb7: {  	_ =	sfence  }
0xb8: {  	s30 =	sld [smem:$0x0];
	_ =	sdelay $0x2  }
0xb9: {  	s31 =	sshll.u32 s1, $0xD;
	s1 =	sshrl.u32 s1, $0x2  }
0xba: {  	s3 =	sand.u32 $0x4000, s31;
	s1 =	sadd.s32 s1, s30  }
0xbb: {  	s0 =	sor.u32 s3, s0;
	s1 =	sshll.u32 s1, $0x11  }
0xbc: {  	s0 =	sor.u32 s1, s0  }
0xbd: {  	s0 =	sadd.s32 $0x8F2B, s0  }
0xbe: {  	[sflag:s0] =	ssyncadd.remote.s32 $0x1  }
0xbf: {  	_ =	sfence.sel $0xFFFF  }
0xc0: {  	[dreg:$0x0] =	wrdreg $0xFFFFFFFF;
	(pc) =	sbr.abs _section_cstart, $3  }
0xc1: {  	[dreg:$0x1] =	wrdreg $0xFFFFFFFF  }
0xc2: {  	_ =	task.clear_ibuf [dreg:s6], $0x2FFFF;
	_ =	strace $0x9FFFFFFF  }
0xc3: {  	(tm) =	ssettm $0x7FFFFFFF  }
tec
execute0_lowered:
.L_overlay_start_1:
0x0: {  	(tag) =	ssettag $0x1  }
0x1: {  	s5 =	rddreg [dreg:$0x0]  }
0x2: {  	s0 =	srdreg.scid;
	s2 =	rddreg [dreg:$0x1]  }
0x3: {  	s3 =	rddreg [dreg:$0x2];
	s4 =	simm.s32 $0x0;
	s15 =	simm.s32 $0x2900  }
0x4: {  	s16 =	simm.s32 $0xB000;
	s17 =	simm.s32 $0xD780;
	s18 =	simm.s32 $0xFF00  }
0x5: {  	s19 =	simm.s32 $0x80;
	s20 =	simm.s32 $0x5100;
	s21 =	simm.s32 $0x5900  }
0x6: {  	s22 =	simm.s32 $0x1;
	s6 =	sand.u32 $0x1, s0;
	s0 =	stileid.u32  }
0x7: {  	s23 =	simm.s32 $0x2;
	s25 =	simm.s32 $0x0;
	s11 =	smul.u32 $0x2780, s0  }
0x8: {  	[smem:$0x7FF] =	sst s4;
	s1 =	sshll.u32 s6, $0x4;
	s10 =	smul.u32 $0x27800, s6  }
0x9: {  	s6 =	ssub.s32 $0x2, s6;
	s24 =	sshll.u32 s0, $0x6;
	s7 =	sor.u32 s0, s1  }
0xa: {  	s1 =	rddreg [dreg:$0x3];
	_ =	strace $0x8000004A;
	s12 =	sshrl.u32 s6, $0x1  }
0xb: {  	s24 =	sor.u32 $0x1C03, s24;
	s8 =	smul.u32 $0x520, s7;
	s9 =	sshrl.u32 s11, $0x3  }
0xc: {  	s7 =	smul.u32 $0x500, s7;
	s10 =	sadd.s32 s11, s10;
	s14 =	ssub.s32 s6, s12  }
0xd: {  	s9 =	sadd.s32 s9, s5;
	s10 =	sshrl.u32 s10, $0x3;
	s8 =	sadd.s32 s8, s5  }
0xe: {  	s7 =	sadd.s32 s7, s5;
	s13 =	sadd.s32 s10, s5;
	s10 =	sadd.s32 s11, s2  }
0xf: {  	s11 =	sadd.s32 s11, s3;
	s5 =	sadd.s32 $0x600, s8;
	s6 =	sadd.s32 $0xFA00, s7  }
0x10: {  	s7 =	sadd.s32 $0x19A00, s9;
	s8 =	sadd.s32 $0x1E900, s9;
	s9 =	sadd.s32 $0xAA00, s9  }
0x11: {  	s12 =	sadd.s32 $0x23800, s13;
	s13 =	smax.u32 s14, $0x1;
	s14 =	simm.s32 $0x3  }
.LBB2_1:
0x12: {  	[tilespmem:s4], [sflag:$0x3] =	stream.linear.gather [hbm4b:s5+s4], $0x2900, $0x38;
	[tilespmem:$0x12680] =	vst v63  }
0x13: {  	_ =	swait.ge [sflag:s14], $0x2900  }
0x14: {  	[sflag:s14] =	ssyncset.done $0x0  }
0x15: {  	[sflag:s14] =	ssyncadd.s32 $0xFFFFD700  }
0x16: {  	[tilespmem:s15], [sflag:$0x3] =	stream.linear.gather [hbm4b:s6+s4], $0x2800, $0x38;
	[tilespmem:$0x12680] =	vst v63  }
0x17: {  	_ =	swait.ge [sflag:s14], $0x2800  }
0x18: {  	[sflag:s14] =	ssyncset.done $0x0  }
0x19: {  	[sflag:s14] =	ssyncadd.s32 $0xFFFFD800  }
0x1a: {  	[tilespmem:s16], [sflag:$0x3] =	stream.linear.gather [hbm4b:s7+s4], $0x2780, $0x38;
	[tilespmem:$0x12680] =	vst v63  }
0x1b: {  	_ =	swait.ge [sflag:s14], $0x2780  }
0x1c: {  	[sflag:s14] =	ssyncset.done $0x0  }
0x1d: {  	[sflag:s14] =	ssyncadd.s32 $0xFFFFD880  }
0x1e: {  	[tilespmem:s17], [sflag:$0x3] =	stream.linear.gather [hbm4b:s8+s4], $0x2780, $0x38;
	[tilespmem:$0x12680] =	vst v63  }
0x1f: {  	_ =	swait.ge [sflag:s14], $0x2780  }
0x20: {  	[sflag:s14] =	ssyncset.done $0x0  }
0x21: {  	[sflag:s14] =	ssyncadd.s32 $0xFFFFD880  }
0x22: {  	[tilespmem:s18], [sflag:$0x3] =	stream.linear.gather [hbm4b:s9+s4], $0x2780, $0x38;
	[tilespmem:$0x12680] =	vst v63  }
0x23: {  	_ =	swait.ge [sflag:s14], $0x2780  }
0x24: {  	[sflag:s14] =	ssyncset.done $0x0  }
0x25: {  	s26 =	simm.s32 $0x0;
	[sflag:s14] =	ssyncadd.s32 $0xFFFFD880  }
0x26: {  	s28 =	simm.s32 $0x40;
	v0 =	vld [tilespmem:s26+$0xD780]  }
.LBB2_2:
0x27: {  	p0 =	sne.s32 s28, $0x9DC0;
	v1 =	vld [tilespmem:s26+$0xB000];
	_ =	sdelay $0x1  }
0x28: {  	v2 =	vld [tilespmem:s26+$0xFF00];
	_ =	sdelay $0x2  }
.Ltmp0:
0x29: {  	v0 =	vadd.f32 v0, v1;
	(pc) =	sbr.rel @p0 .LBB2_2-.Ltmp0, $4  }
0x2a: {  	_ = 	snop  }
0x2b: {  	v1 =	vsub.f32 v0, v2  }
0x2c: {  	s29 =	sshra.s32 s28, $0x2  }
0x2d: {  	s28 =	sadd.s32 $0x40, s28;
	v0 =	vld [tilespmem:s29+$0xD780];
	[tilespmem:s26+$0xB000] =	vst v1;
	s26 =	smov.u32 s29  }
0x2e: {  	v1 =	vld [tilespmem:s26+$0xB000];
	_ =	sdelay $0x1  }
0x2f: {  	v2 =	vld [tilespmem:s26+$0xFF00];
	_ =	sdelay $0x2  }
0x30: {  	v0 =	vadd.f32 v0, v1;
	_ =	sdelay $0x1  }
0x31: {  	v0 =	vsub.f32 v0, v2;
	_ =	sdelay $0x1  }
0x32: {  	[tilespmem:s26+$0xB000] =	vst v0  }
0x33: {  	[spmem:s10] =	stream.linear.scatter [tilespmem:s16], [sflag:$0x3], $0x2780, $0x38;
	[tilespmem:$0x12680] =	vst v63  }
0x34: {  	_ =	swait.ge [sflag:s14], $0x2780  }
0x35: {  	[sflag:s14] =	ssyncset.done $0x0  }
0x36: {  	[sflag:s14] =	ssyncadd.s32 $0xFFFFD880  }
0x37: {  	[spmem:s11] =	stream.linear.scatter [tilespmem:s16], [sflag:$0x3], $0x2780, $0x38;
	[tilespmem:$0x12680] =	vst v63  }
0x38: {  	_ =	swait.ge [sflag:s14], $0x2780  }
0x39: {  	[sflag:s14] =	ssyncset.done $0x0  }
0x3a: {  	[sflag:s14] =	ssyncadd.s32 $0xFFFFD880  }
0x3b: {  	s30 =	simm.s32 $0x0;
	[bflag:$0x0] =	sbarrier.arrive $0xFFFF  }
0x3c: {  	[tilespmem:s20], [sflag:$0x1] =	stream.indirect.gather [spmem:s2], $0x10, s30, s19, $0xb8;
	[tilespmem:$0x12680] =	vst v63  }
0x3d: {  	s31 =	simm.s32 $0x80  }
0x3e: {  	[tilespmem:s21], [sflag:$0x2] =	stream.indirect.gather [spmem:s2], $0x10, s31, s19, $0xb8;
	[tilespmem:$0x12680] =	vst v63  }
0x3f: {  	_ =	swait.ge [sflag:s22], $0x800  }
0x40: {  	[sflag:s22] =	ssyncset.done $0x0  }
0x41: {  	s29 =	simm.s32 $0x2900;
	[sflag:s22] =	ssyncadd.s32 $0xFFFFF800  }
0x42: {  	[spmem:s3] =	stream.indirect.scatter.add.f32 [tilespmem:s20], [sflag:$0x3], $0x10, s29, s19, $0xb8;
	[tilespmem:$0x12680] =	vst v63  }
0x43: {  	_ =	swait.ge [sflag:s14], $0x800  }
0x44: {  	[sflag:s14] =	ssyncset.done $0x0  }
0x45: {  	s30 =	simm.s32 $0x100;
	[sflag:s14] =	ssyncadd.s32 $0xFFFFF800  }
0x46: {  	[tilespmem:s20], [sflag:$0x1] =	stream.indirect.gather [spmem:s2], $0x10, s30, s19, $0xb8;
	[tilespmem:$0x12680] =	vst v63  }
0x47: {  	_ =	swait.ge [sflag:s23], $0x800  }
0x48: {  	[sflag:s23] =	ssyncset.done $0x0  }
0x49: {  	s31 =	simm.s32 $0x2980;
	[sflag:s23] =	ssyncadd.s32 $0xFFFFF800  }
0x4a: {  	[spmem:s3] =	stream.indirect.scatter.add.f32 [tilespmem:s21], [sflag:$0x3], $0x10, s31, s19, $0xb8;
	[tilespmem:$0x12680] =	vst v63  }
0x4b: {  	_ =	swait.ge [sflag:s14], $0x800  }
0x4c: {  	s28 =	simm.s32 $0x800;
	s26 =	simm.s32 $0x100;
	[sflag:s14] =	ssyncset.done $0x0  }
.LBB2_4:
0x4d: {  	s29 =	sadd.s32 $0x80, s26  }
0x4e: {  	[sflag:s14] =	ssyncadd.s32 $0xFFFFF800;
	s30 =	smov.u32 s28;
	s31 =	sadd.s32 $0x400, s28  }
0x4f: {  	[tilespmem:s21], [sflag:$0x2] =	stream.indirect.gather [spmem:s2], $0x10, s29, s19, $0xb8;
	[tilespmem:$0x12680] =	vst v63  }
0x50: {  	p0 =	sne.s32 s28, $0x9C00;
	_ =	swait.ge [sflag:s22], $0x800  }
0x51: {  	[sflag:s22] =	ssyncset.done $0x0  }
0x52: {  	s28 =	sadd.s32 $0x2900, s26;
	[sflag:s22] =	ssyncadd.s32 $0xFFFFF800  }
0x53: {  	[spmem:s3] =	stream.indirect.scatter.add.f32 [tilespmem:s20], [sflag:$0x3], $0x10, s28, s19, $0xb8;
	[tilespmem:$0x12680] =	vst v63  }
0x54: {  	_ =	swait.ge [sflag:s14], $0x800  }
0x55: {  	[sflag:s14] =	ssyncset.done $0x0  }
0x56: {  	s28 =	sadd.s32 $0x100, s26;
	[sflag:s14] =	ssyncadd.s32 $0xFFFFF800  }
0x57: {  	[tilespmem:s20], [sflag:$0x1] =	stream.indirect.gather [spmem:s2], $0x10, s28, s19, $0xb8;
	[tilespmem:$0x12680] =	vst v63  }
0x58: {  	_ =	swait.ge [sflag:s23], $0x800  }
.Ltmp1:
0x59: {  	[sflag:s23] =	ssyncset.done $0x0;
	(pc) =	sbr.rel @p0 .LBB2_4-.Ltmp1, $4  }
0x5a: {  	s26 =	sadd.s32 $0x2980, s26;
	[sflag:s23] =	ssyncadd.s32 $0xFFFFF800  }
0x5b: {  	[spmem:s3] =	stream.indirect.scatter.add.f32 [tilespmem:s21], [sflag:$0x3], $0x10, s26, s19, $0xb8;
	[tilespmem:$0x12680] =	vst v63  }
0x5c: {  	_ =	swait.ge [sflag:s14], $0x800  }
0x5d: {  	s28 =	smov.u32 s31;
	s26 =	sshra.s32 s30, $0x2;
	[sflag:s14] =	ssyncset.done $0x0  }
0x5e: {  	s28 =	sadd.s32 $0x80, s26;
	[sflag:s14] =	ssyncadd.s32 $0xFFFFF800  }
0x5f: {  	[tilespmem:s21], [sflag:$0x2] =	stream.indirect.gather [spmem:s2], $0x10, s28, s19, $0xb8;
	[tilespmem:$0x12680] =	vst v63  }
0x60: {  	_ =	swait.ge [sflag:s22], $0x800  }
0x61: {  	[sflag:s22] =	ssyncset.done $0x0  }
0x62: {  	s31 =	sadd.s32 $0x2900, s26;
	[sflag:s22] =	ssyncadd.s32 $0xFFFFF800  }
0x63: {  	[spmem:s3] =	stream.indirect.scatter.add.f32 [tilespmem:s20], [sflag:$0x3], $0x10, s31, s19, $0xb8;
	[tilespmem:$0x12680] =	vst v63  }
0x64: {  	_ =	swait.ge [sflag:s14], $0x800  }
0x65: {  	[sflag:s14] =	ssyncset.done $0x0  }
0x66: {  	s29 =	sadd.s32 $0x100, s26;
	[sflag:s14] =	ssyncadd.s32 $0xFFFFF800  }
0x67: {  	[tilespmem:s20], [sflag:$0x1] =	stream.indirect.gather [spmem:s2], $0x10, s29, s19, $0xb8;
	[tilespmem:$0x12680] =	vst v63  }
0x68: {  	_ =	swait.ge [sflag:s23], $0x800  }
0x69: {  	[sflag:s23] =	ssyncset.done $0x0  }
0x6a: {  	s30 =	sadd.s32 $0x2980, s26;
	[sflag:s23] =	ssyncadd.s32 $0xFFFFF800  }
0x6b: {  	[spmem:s3] =	stream.indirect.scatter.add.f32 [tilespmem:s21], [sflag:$0x3], $0x10, s30, s19, $0xb8;
	[tilespmem:$0x12680] =	vst v63  }
0x6c: {  	_ =	swait.ge [sflag:s14], $0x800  }
0x6d: {  	[sflag:s14] =	ssyncset.done $0x0  }
0x6e: {  	[sflag:s14] =	ssyncadd.s32 $0xFFFFF800  }
0x6f: {  	_ =	swait.ge [sflag:s22], $0x800  }
0x70: {  	s25 =	sadd.s32 $0x1, s25;
	[sflag:s22] =	ssyncset.done $0x0  }
0x71: {  	p0 =	sne.s32 s25, s13;
	[sflag:s22] =	ssyncadd.s32 $0xFFFFF800  }
.Ltmp2:
0x72: {  	s31 =	sshrl.u32 s11, $0x3;
	[bflag:$0x0] =	sbarrier.arrive $0xFFFF;
	(pc) =	sbr.rel @p0 .LBB2_1-.Ltmp2, $4  }
0x73: {  	[hbm:s12], [sflag:s24] =	dma.local [spmem:s31], $0x4F0  }
0x74: {  	_ =	swait.ge [sflag:s14], $0x4F0  }
0x75: {  	[sflag:s14] =	ssyncset.done $0x0  }
0x76: {  	[sflag:s14] =	ssyncadd.s32 $0xFFFFFB10  }
0x77: {  	_ =	sfence.sel $0x180000  }
0x78: {  	[bflag:$0x0] =	sbarrier.arrive $0xFFFF  }
0x79: {  	p0 =	sne.s32 s0, $0x0;
	_ =	strace $0x9000004A  }
0x7a: {  	s0 =	sadd.s32 @!p0 $0x100000, s1;
	[bflag:$0x2] =	sbarrier.arrive $0xFFFF  }
0x7b: {  	[sflag:s0] =	ssyncadd.tile.s32 @!p0 $0x1;
	_ =	shalt  }
.Lfunc_end2:
_tile_overlayer_lowered:
.L_overlay_start_2:
0x7c: {  	(tag) =	ssettag $0x2  }
0x7d: {  	s0 =	rddreg [dreg:$0x0];
	s2 =	stileid.u32  }
0x7e: {  	s1 =	rddreg [dreg:$0x1];
	p0 =	sne.s32 s2, $0x0  }
0x7f: {  	s3 =	rddreg [dreg:$0x2];
	[bflag:$0x3] =	sbarrier.arrive $0xFFFF;
	s2 =	simm.s32 @!p0 $0x1C03  }
0x80: {  	[timem:s3], [sflag:s2] =	dma.local @!p0 [hbm:s0], s1  }
0x81: {  	s0 =	simm.s32 @!p0 $0x3  }
0x82: {  	_ =	swait.ge @!p0 [sflag:s0], s1  }
0x83: {  	s1 =	ssub.s32 @!p0 $0x0, s1;
	[sflag:s0] =	ssyncset.done @!p0 $0x0  }
0x84: {  	[sflag:s0] =	ssyncadd.s32 @!p0 s1  }
0x85: {  	[bflag:$0x3] =	sbarrier.arrive $0xFFFF  }
0x86: {  	_ =	shalt  }

</sc_bundles>
